<compile_context>
chip_gen: v7x
topology: tpu7x:2x2x1
jax: 0.10.2.dev20260603
libtpu: 0.0.44.dev20260713+nightly
codegen_flags: <defaults>
</compile_context>

<pallas_src>
import functools

import jax
import jax.numpy as jnp
from jax import lax
from jax.experimental import pallas as pl
from jax.experimental.pallas import tpu as pltpu
from jax.experimental.pallas import tpu_sc as plsc

B = 16384
D = 32
N = 1000000
PACK = 128 // D
NP = N // PACK
NC = 2
NS = 16
NW = NC * NS
BPW = B // NW


def _sc_gather(users_p, items_p, uidx, iidx):
  mesh = plsc.VectorSubcoreMesh(core_axis_name="c", subcore_axis_name="s")

  @functools.partial(
      pl.kernel,
      mesh=mesh,
      out_type=[
          jax.ShapeDtypeStruct((B, 128), jnp.float32),
          jax.ShapeDtypeStruct((B, 128), jnp.float32),
      ],
      scratch_types=[
          pltpu.VMEM((4, 128), jnp.int32),
          pltpu.VMEM((4, 128), jnp.int32),
          pltpu.VMEM((128, 128), jnp.float32),
          pltpu.VMEM((128, 128), jnp.float32),
          pltpu.SemaphoreType.DMA,
          pltpu.SemaphoreType.DMA,
      ],
  )
  def k(users_hbm, items_hbm, uid_hbm, iid_hbm, u_out, v_out,
        uid_v, iid_v, urows_v, vrows_v, sem_u, sem_v):
    wid = lax.axis_index("s") * NC + lax.axis_index("c")
    base = wid * BPW
    for h in range(4):
      pltpu.sync_copy(uid_hbm.at[pl.ds(base + h * 128, 128)], uid_v.at[h])
      pltpu.sync_copy(iid_hbm.at[pl.ds(base + h * 128, 128)], iid_v.at[h])
    for h in range(4):
      cu = pltpu.async_copy(users_hbm.at[uid_v.at[h]], urows_v, sem_u)
      cv = pltpu.async_copy(items_hbm.at[iid_v.at[h]], vrows_v, sem_v)
      cu.wait()
      cv.wait()
      pltpu.sync_copy(urows_v, u_out.at[pl.ds(base + h * 128, 128)])
      pltpu.sync_copy(vrows_v, v_out.at[pl.ds(base + h * 128, 128)])

  return k(users_p, items_p, uidx, iidx)


TBLK = 8192


def _tc_pack(table_t):

  def body(x_ref, o_ref):
    x = x_ref[...]
    for g in range(TBLK // (PACK * 128)):
      parts = [jnp.transpose(x[:, g * 512 + m * 128:g * 512 + (m + 1) * 128])
               for m in range(PACK)]
      o_ref[g * 128:(g + 1) * 128, :] = jnp.concatenate(parts, axis=1)

  nsteps = (N + TBLK - 1) // TBLK
  return pl.pallas_call(
      body,
      grid=(nsteps,),
      in_specs=[pl.BlockSpec((32, TBLK), lambda i: (0, i))],
      out_shape=jax.ShapeDtypeStruct((nsteps * (TBLK // PACK), 128),
                                     jnp.float32),
      out_specs=pl.BlockSpec((TBLK // PACK, 128), lambda i: (i, 0)),
      compiler_params=pltpu.CompilerParams(
          dimension_semantics=("parallel",),
      ),
  )(table_t)


GB = 2048


def _tc_loss(u_big, v_big, user_id, item_id, rating):

  def body(u_ref, v_ref, uid_ref, iid_ref, r_ref, o_ref):
    i = pl.program_id(0)

    @pl.when(i == 0)
    def _():
      o_ref[0, 0] = 0.0

    uoff = (uid_ref[...] >> 7) & (PACK - 1)
    ioff = (iid_ref[...] >> 7) & (PACK - 1)
    uf = u_ref[...].astype(jnp.float32)
    vf = v_ref[...].astype(jnp.float32)
    pred = jnp.zeros((GB,), jnp.float32)
    for a in range(PACK):
      ua = uf[:, a * D:(a + 1) * D]
      for b in range(PACK):
        vb = vf[:, b * D:(b + 1) * D]
        d = jnp.sum(ua * vb, axis=1)
        m = jnp.logical_and(uoff == a, ioff == b)
        pred = pred + jnp.where(m, d, 0.0)
    err = r_ref[...] - pred
    o_ref[0, 0] += jnp.sum(err * err) * (1.0 / B)

  return pl.pallas_call(
      body,
      grid=(B // GB,),
      in_specs=[
          pl.BlockSpec((GB, 128), lambda i: (i, 0)),
          pl.BlockSpec((GB, 128), lambda i: (i, 0)),
          pl.BlockSpec((GB,), lambda i: (i,)),
          pl.BlockSpec((GB,), lambda i: (i,)),
          pl.BlockSpec((GB,), lambda i: (i,)),
      ],
      out_shape=jax.ShapeDtypeStruct((1, 1), jnp.float32),
      out_specs=pl.BlockSpec(memory_space=pltpu.SMEM),
  )(u_big, v_big, user_id, item_id, rating)


def kernel(user_id, item_id, rating, users, items):
  users_p = _tc_pack(users.T)
  items_p = _tc_pack(items.T)
  uidx = ((user_id >> 9) << 7) + (user_id & 127)
  iidx = ((item_id >> 9) << 7) + (item_id & 127)
  u_big, v_big = _sc_gather(users_p, items_p, uidx, iidx)
  return _tc_loss(u_big, v_big, user_id, item_id, rating)[0, 0]

# --- scband reference (transcript-rebuilt; emitter-appended) ---
"""Pipeline reference for scband-mf-67671504715949 (READ-ONLY COPY).

The authoritative reference and input builder live on the scoring server;
editing this copy changes nothing except your own understanding.
"""

import jax, jax.numpy as jnp
import numpy as np

USER_COUNT = 1000000
ITEM_COUNT = 1000000
LATENT = 32
BATCH = 16384

def setup_inputs(seed: int = 0) -> dict:
    key = jax.random.key(seed)
    k1, k2, k3, k4, k5 = jax.random.split(key, 5)
    user_id = jax.random.randint(k1, (BATCH,), 0, USER_COUNT, dtype=jnp.int64) if jax.config.jax_enable_x64 else jax.random.randint(k1, (BATCH,), 0, USER_COUNT, dtype=jnp.int32)
    item_id = jax.random.randint(k2, (BATCH,), 0, ITEM_COUNT, dtype=jnp.int32)
    rating = jax.random.uniform(k3, (BATCH,), dtype=jnp.float32)
    users = jax.random.normal(k4, (USER_COUNT, LATENT), dtype=jnp.float32) * 0.02
    items = jax.random.normal(k5, (ITEM_COUNT, LATENT), dtype=jnp.float32) * 0.02
    return {"user_id": user_id, "item_id": item_id, "rating": rating, "users": users, "items": items}

def reference(user_id, item_id, rating, users, items):
    u = jnp.take(users, user_id, axis=0)
    v = jnp.take(items, item_id, axis=0)
    predictions = (u * v).sum(axis=1)
    loss = jnp.mean((rating - predictions) ** 2)
    return loss

if __name__ == "__main__":
    import jax
    _d = setup_inputs()
    print(jax.jit(kernel)(*tuple(_d.values())))

</pallas_src>

<mosaic_0001>
#map = affine_map<(d0, d1) -> (0, 0)>
#map1 = affine_map<(d0, d1) -> (0)>
module attributes {stable_mosaic.version = 14 : i64} {
  func.func @k(%arg0: i32, %arg1: i32, %arg2: memref<251904x128xf32, #tpu.memory_space<hbm>>, %arg3: memref<251904x128xf32, #tpu.memory_space<hbm>>, %arg4: memref<16384xi32, #tpu.memory_space<hbm>>, %arg5: memref<16384xi32, #tpu.memory_space<hbm>>, %arg6: memref<16384x128xf32, #tpu.memory_space<hbm>>, %arg7: memref<16384x128xf32, #tpu.memory_space<hbm>>, %arg8: memref<4x128xi32, #tpu.memory_space<vmem>>, %arg9: memref<4x128xi32, #tpu.memory_space<vmem>>, %arg10: memref<128x128xf32, #tpu.memory_space<vmem>>, %arg11: memref<128x128xf32, #tpu.memory_space<vmem>>, %arg12: memref<!tpu.dma_semaphore, #tpu.memory_space<semaphore_mem>>, %arg13: memref<!tpu.dma_semaphore, #tpu.memory_space<semaphore_mem>>) attributes {dimension_semantics = [#tpu.dimension_semantics<core_parallel>, #tpu.dimension_semantics<subcore_parallel>], iteration_bounds = array<i64: 2, 16>, scalar_prefetch = 0 : i64, scratch_operands = 6 : i64, tpu.core_type = #tpu.core_type<sc_vector_subcore>, window_params = [{transform_indices = #map}, {transform_indices = #map}, {transform_indices = #map1}, {transform_indices = #map1}, {transform_indices = #map}, {transform_indices = #map}]} {
    %mul3A = arith.constant 2 : i32
    %mul3A_0 = arith.muli %arg1, %mul3A : i32
    %add3A = arith.addi %mul3A_0, %arg0 : i32
    %mul3A_1 = arith.constant 512 : i32
    %mul3A_2 = arith.muli %add3A, %mul3A_1 : i32
    %add3A_3 = arith.constant 0 : i32
    %add3A_4 = arith.addi %mul3A_2, %add3A_3 : i32
    %run_scoped3A = arith.constant 0 : i32
    "tpu.region"() ({
      %run_scoped3A_152 = tpu.sem_alloc : memref<!tpu.dma_semaphore, #tpu.memory_space<semaphore_mem>>
      %dma_start3A_153 = arith.constant 0 : i32
      %dma_start3A_154 = tpu.memref_slice %arg8[%run_scoped3A, %dma_start3A_153] : memref<4x128xi32, #tpu.memory_space<vmem>> -> memref<1x128xi32, #tpu.memory_space<vmem>>
      %dma_start3A_155 = tpu.memref_squeeze %dma_start3A_154 : memref<1x128xi32, #tpu.memory_space<vmem>> -> memref<128xi32, #tpu.memory_space<vmem>>
      %dma_start3A_156 = tpu.memref_slice %arg4[%add3A_4] : memref<16384xi32, #tpu.memory_space<hbm>> -> memref<128xi32, #tpu.memory_space<hbm>>
      %dma_start3A_157 = arith.constant 0 : i32
      %dma_start3A_158 = tpu.memref_slice %arg8[%run_scoped3A, %dma_start3A_157] : memref<4x128xi32, #tpu.memory_space<vmem>> -> memref<1x128xi32, #tpu.memory_space<vmem>>
      %dma_start3A_159 = tpu.memref_squeeze %dma_start3A_158 : memref<1x128xi32, #tpu.memory_space<vmem>> -> memref<128xi32, #tpu.memory_space<vmem>>
      %dma_start3A_160 = tpu.memref_slice %arg4[%add3A_4] : memref<16384xi32, #tpu.memory_space<hbm>> -> memref<128xi32, #tpu.memory_space<hbm>>
      tpu.enqueue_dma source(%dma_start3A_160 : memref<128xi32, #tpu.memory_space<hbm>>) target(%dma_start3A_159 : memref<128xi32, #tpu.memory_space<vmem>>) target_semaphore(%run_scoped3A_152 : memref<!tpu.dma_semaphore, #tpu.memory_space<semaphore_mem>>)
      %dma_wait3A_161 = arith.constant 0 : i32
      %dma_wait3A_162 = tpu.memref_slice %arg8[%run_scoped3A, %dma_wait3A_161] : memref<4x128xi32, #tpu.memory_space<vmem>> -> memref<1x128xi32, #tpu.memory_space<vmem>>
      %dma_wait3A_163 = tpu.memref_squeeze %dma_wait3A_162 : memref<1x128xi32, #tpu.memory_space<vmem>> -> memref<128xi32, #tpu.memory_space<vmem>>
      %dma_wait3A_164 = tpu.memref_slice %arg4[%add3A_4] : memref<16384xi32, #tpu.memory_space<hbm>> -> memref<128xi32, #tpu.memory_space<hbm>>
      %dma_wait3A_165 = arith.constant 0 : i32
      %dma_wait3A_166 = tpu.memref_slice %arg8[%run_scoped3A, %dma_wait3A_165] : memref<4x128xi32, #tpu.memory_space<vmem>> -> memref<1x128xi32, #tpu.memory_space<vmem>>
      %dma_wait3A_167 = tpu.memref_squeeze %dma_wait3A_166 : memref<1x128xi32, #tpu.memory_space<vmem>> -> memref<128xi32, #tpu.memory_space<vmem>>
      %dma_wait3A_168 = tpu.memref_slice %arg4[%add3A_4] : memref<16384xi32, #tpu.memory_space<hbm>> -> memref<128xi32, #tpu.memory_space<hbm>>
      tpu.wait_dma2 semaphore(%run_scoped3A_152 : memref<!tpu.dma_semaphore, #tpu.memory_space<semaphore_mem>>) src(%dma_wait3A_168 : memref<128xi32, #tpu.memory_space<hbm>>) dst(%dma_wait3A_167 : memref<128xi32, #tpu.memory_space<vmem>>)
      tpu.yield
    }) : () -> ()
    %add3A_5 = arith.constant 0 : i32
    %add3A_6 = arith.addi %mul3A_2, %add3A_5 : i32
    %run_scoped3A_7 = arith.constant 0 : i32
    "tpu.region"() ({
      %run_scoped3A_152 = tpu.sem_alloc : memref<!tpu.dma_semaphore, #tpu.memory_space<semaphore_mem>>
      %dma_start3A_153 = arith.constant 0 : i32
      %dma_start3A_154 = tpu.memref_slice %arg9[%run_scoped3A_7, %dma_start3A_153] : memref<4x128xi32, #tpu.memory_space<vmem>> -> memref<1x128xi32, #tpu.memory_space<vmem>>
      %dma_start3A_155 = tpu.memref_squeeze %dma_start3A_154 : memref<1x128xi32, #tpu.memory_space<vmem>> -> memref<128xi32, #tpu.memory_space<vmem>>
      %dma_start3A_156 = tpu.memref_slice %arg5[%add3A_6] : memref<16384xi32, #tpu.memory_space<hbm>> -> memref<128xi32, #tpu.memory_space<hbm>>
      %dma_start3A_157 = arith.constant 0 : i32
      %dma_start3A_158 = tpu.memref_slice %arg9[%run_scoped3A_7, %dma_start3A_157] : memref<4x128xi32, #tpu.memory_space<vmem>> -> memref<1x128xi32, #tpu.memory_space<vmem>>
      %dma_start3A_159 = tpu.memref_squeeze %dma_start3A_158 : memref<1x128xi32, #tpu.memory_space<vmem>> -> memref<128xi32, #tpu.memory_space<vmem>>
      %dma_start3A_160 = tpu.memref_slice %arg5[%add3A_6] : memref<16384xi32, #tpu.memory_space<hbm>> -> memref<128xi32, #tpu.memory_space<hbm>>
      tpu.enqueue_dma source(%dma_start3A_160 : memref<128xi32, #tpu.memory_space<hbm>>) target(%dma_start3A_159 : memref<128xi32, #tpu.memory_space<vmem>>) target_semaphore(%run_scoped3A_152 : memref<!tpu.dma_semaphore, #tpu.memory_space<semaphore_mem>>)
      %dma_wait3A_161 = arith.constant 0 : i32
      %dma_wait3A_162 = tpu.memref_slice %arg9[%run_scoped3A_7, %dma_wait3A_161] : memref<4x128xi32, #tpu.memory_space<vmem>> -> memref<1x128xi32, #tpu.memory_space<vmem>>
      %dma_wait3A_163 = tpu.memref_squeeze %dma_wait3A_162 : memref<1x128xi32, #tpu.memory_space<vmem>> -> memref<128xi32, #tpu.memory_space<vmem>>
      %dma_wait3A_164 = tpu.memref_slice %arg5[%add3A_6] : memref<16384xi32, #tpu.memory_space<hbm>> -> memref<128xi32, #tpu.memory_space<hbm>>
      %dma_wait3A_165 = arith.constant 0 : i32
      %dma_wait3A_166 = tpu.memref_slice %arg9[%run_scoped3A_7, %dma_wait3A_165] : memref<4x128xi32, #tpu.memory_space<vmem>> -> memref<1x128xi32, #tpu.memory_space<vmem>>
      %dma_wait3A_167 = tpu.memref_squeeze %dma_wait3A_166 : memref<1x128xi32, #tpu.memory_space<vmem>> -> memref<128xi32, #tpu.memory_space<vmem>>
      %dma_wait3A_168 = tpu.memref_slice %arg5[%add3A_6] : memref<16384xi32, #tpu.memory_space<hbm>> -> memref<128xi32, #tpu.memory_space<hbm>>
      tpu.wait_dma2 semaphore(%run_scoped3A_152 : memref<!tpu.dma_semaphore, #tpu.memory_space<semaphore_mem>>) src(%dma_wait3A_168 : memref<128xi32, #tpu.memory_space<hbm>>) dst(%dma_wait3A_167 : memref<128xi32, #tpu.memory_space<vmem>>)
      tpu.yield
    }) : () -> ()
    %add3A_8 = arith.constant 128 : i32
    %add3A_9 = arith.addi %mul3A_2, %add3A_8 : i32
    %run_scoped3A_10 = arith.constant 1 : i32
    "tpu.region"() ({
      %run_scoped3A_152 = tpu.sem_alloc : memref<!tpu.dma_semaphore, #tpu.memory_space<semaphore_mem>>
      %dma_start3A_153 = arith.constant 0 : i32
      %dma_start3A_154 = tpu.memref_slice %arg8[%run_scoped3A_10, %dma_start3A_153] : memref<4x128xi32, #tpu.memory_space<vmem>> -> memref<1x128xi32, #tpu.memory_space<vmem>>
      %dma_start3A_155 = tpu.memref_squeeze %dma_start3A_154 : memref<1x128xi32, #tpu.memory_space<vmem>> -> memref<128xi32, #tpu.memory_space<vmem>>
      %dma_start3A_156 = tpu.memref_slice %arg4[%add3A_9] : memref<16384xi32, #tpu.memory_space<hbm>> -> memref<128xi32, #tpu.memory_space<hbm>>
      %dma_start3A_157 = arith.constant 0 : i32
      %dma_start3A_158 = tpu.memref_slice %arg8[%run_scoped3A_10, %dma_start3A_157] : memref<4x128xi32, #tpu.memory_space<vmem>> -> memref<1x128xi32, #tpu.memory_space<vmem>>
      %dma_start3A_159 = tpu.memref_squeeze %dma_start3A_158 : memref<1x128xi32, #tpu.memory_space<vmem>> -> memref<128xi32, #tpu.memory_space<vmem>>
      %dma_start3A_160 = tpu.memref_slice %arg4[%add3A_9] : memref<16384xi32, #tpu.memory_space<hbm>> -> memref<128xi32, #tpu.memory_space<hbm>>
      tpu.enqueue_dma source(%dma_start3A_160 : memref<128xi32, #tpu.memory_space<hbm>>) target(%dma_start3A_159 : memref<128xi32, #tpu.memory_space<vmem>>) target_semaphore(%run_scoped3A_152 : memref<!tpu.dma_semaphore, #tpu.memory_space<semaphore_mem>>)
      %dma_wait3A_161 = arith.constant 0 : i32
      %dma_wait3A_162 = tpu.memref_slice %arg8[%run_scoped3A_10, %dma_wait3A_161] : memref<4x128xi32, #tpu.memory_space<vmem>> -> memref<1x128xi32, #tpu.memory_space<vmem>>
      %dma_wait3A_163 = tpu.memref_squeeze %dma_wait3A_162 : memref<1x128xi32, #tpu.memory_space<vmem>> -> memref<128xi32, #tpu.memory_space<vmem>>
      %dma_wait3A_164 = tpu.memref_slice %arg4[%add3A_9] : memref<16384xi32, #tpu.memory_space<hbm>> -> memref<128xi32, #tpu.memory_space<hbm>>
      %dma_wait3A_165 = arith.constant 0 : i32
      %dma_wait3A_166 = tpu.memref_slice %arg8[%run_scoped3A_10, %dma_wait3A_165] : memref<4x128xi32, #tpu.memory_space<vmem>> -> memref<1x128xi32, #tpu.memory_space<vmem>>
      %dma_wait3A_167 = tpu.memref_squeeze %dma_wait3A_166 : memref<1x128xi32, #tpu.memory_space<vmem>> -> memref<128xi32, #tpu.memory_space<vmem>>
      %dma_wait3A_168 = tpu.memref_slice %arg4[%add3A_9] : memref<16384xi32, #tpu.memory_space<hbm>> -> memref<128xi32, #tpu.memory_space<hbm>>
      tpu.wait_dma2 semaphore(%run_scoped3A_152 : memref<!tpu.dma_semaphore, #tpu.memory_space<semaphore_mem>>) src(%dma_wait3A_168 : memref<128xi32, #tpu.memory_space<hbm>>) dst(%dma_wait3A_167 : memref<128xi32, #tpu.memory_space<vmem>>)
      tpu.yield
    }) : () -> ()
    %add3A_11 = arith.constant 128 : i32
    %add3A_12 = arith.addi %mul3A_2, %add3A_11 : i32
    %run_scoped3A_13 = arith.constant 1 : i32
    "tpu.region"() ({
      %run_scoped3A_152 = tpu.sem_alloc : memref<!tpu.dma_semaphore, #tpu.memory_space<semaphore_mem>>
      %dma_start3A_153 = arith.constant 0 : i32
      %dma_start3A_154 = tpu.memref_slice %arg9[%run_scoped3A_13, %dma_start3A_153] : memref<4x128xi32, #tpu.memory_space<vmem>> -> memref<1x128xi32, #tpu.memory_space<vmem>>
      %dma_start3A_155 = tpu.memref_squeeze %dma_start3A_154 : memref<1x128xi32, #tpu.memory_space<vmem>> -> memref<128xi32, #tpu.memory_space<vmem>>
      %dma_start3A_156 = tpu.memref_slice %arg5[%add3A_12] : memref<16384xi32, #tpu.memory_space<hbm>> -> memref<128xi32, #tpu.memory_space<hbm>>
      %dma_start3A_157 = arith.constant 0 : i32
      %dma_start3A_158 = tpu.memref_slice %arg9[%run_scoped3A_13, %dma_start3A_157] : memref<4x128xi32, #tpu.memory_space<vmem>> -> memref<1x128xi32, #tpu.memory_space<vmem>>
      %dma_start3A_159 = tpu.memref_squeeze %dma_start3A_158 : memref<1x128xi32, #tpu.memory_space<vmem>> -> memref<128xi32, #tpu.memory_space<vmem>>
      %dma_start3A_160 = tpu.memref_slice %arg5[%add3A_12] : memref<16384xi32, #tpu.memory_space<hbm>> -> memref<128xi32, #tpu.memory_space<hbm>>
      tpu.enqueue_dma source(%dma_start3A_160 : memref<128xi32, #tpu.memory_space<hbm>>) target(%dma_start3A_159 : memref<128xi32, #tpu.memory_space<vmem>>) target_semaphore(%run_scoped3A_152 : memref<!tpu.dma_semaphore, #tpu.memory_space<semaphore_mem>>)
      %dma_wait3A_161 = arith.constant 0 : i32
      %dma_wait3A_162 = tpu.memref_slice %arg9[%run_scoped3A_13, %dma_wait3A_161] : memref<4x128xi32, #tpu.memory_space<vmem>> -> memref<1x128xi32, #tpu.memory_space<vmem>>
      %dma_wait3A_163 = tpu.memref_squeeze %dma_wait3A_162 : memref<1x128xi32, #tpu.memory_space<vmem>> -> memref<128xi32, #tpu.memory_space<vmem>>
      %dma_wait3A_164 = tpu.memref_slice %arg5[%add3A_12] : memref<16384xi32, #tpu.memory_space<hbm>> -> memref<128xi32, #tpu.memory_space<hbm>>
      %dma_wait3A_165 = arith.constant 0 : i32
      %dma_wait3A_166 = tpu.memref_slice %arg9[%run_scoped3A_13, %dma_wait3A_165] : memref<4x128xi32, #tpu.memory_space<vmem>> -> memref<1x128xi32, #tpu.memory_space<vmem>>
      %dma_wait3A_167 = tpu.memref_squeeze %dma_wait3A_166 : memref<1x128xi32, #tpu.memory_space<vmem>> -> memref<128xi32, #tpu.memory_space<vmem>>
      %dma_wait3A_168 = tpu.memref_slice %arg5[%add3A_12] : memref<16384xi32, #tpu.memory_space<hbm>> -> memref<128xi32, #tpu.memory_space<hbm>>
      tpu.wait_dma2 semaphore(%run_scoped3A_152 : memref<!tpu.dma_semaphore, #tpu.memory_space<semaphore_mem>>) src(%dma_wait3A_168 : memref<128xi32, #tpu.memory_space<hbm>>) dst(%dma_wait3A_167 : memref<128xi32, #tpu.memory_space<vmem>>)
      tpu.yield
    }) : () -> ()
    %add3A_14 = arith.constant 256 : i32
    %add3A_15 = arith.addi %mul3A_2, %add3A_14 : i32
    %run_scoped3A_16 = arith.constant 2 : i32
    "tpu.region"() ({
      %run_scoped3A_152 = tpu.sem_alloc : memref<!tpu.dma_semaphore, #tpu.memory_space<semaphore_mem>>
      %dma_start3A_153 = arith.constant 0 : i32
      %dma_start3A_154 = tpu.memref_slice %arg8[%run_scoped3A_16, %dma_start3A_153] : memref<4x128xi32, #tpu.memory_space<vmem>> -> memref<1x128xi32, #tpu.memory_space<vmem>>
      %dma_start3A_155 = tpu.memref_squeeze %dma_start3A_154 : memref<1x128xi32, #tpu.memory_space<vmem>> -> memref<128xi32, #tpu.memory_space<vmem>>
      %dma_start3A_156 = tpu.memref_slice %arg4[%add3A_15] : memref<16384xi32, #tpu.memory_space<hbm>> -> memref<128xi32, #tpu.memory_space<hbm>>
      %dma_start3A_157 = arith.constant 0 : i32
      %dma_start3A_158 = tpu.memref_slice %arg8[%run_scoped3A_16, %dma_start3A_157] : memref<4x128xi32, #tpu.memory_space<vmem>> -> memref<1x128xi32, #tpu.memory_space<vmem>>
      %dma_start3A_159 = tpu.memref_squeeze %dma_start3A_158 : memref<1x128xi32, #tpu.memory_space<vmem>> -> memref<128xi32, #tpu.memory_space<vmem>>
      %dma_start3A_160 = tpu.memref_slice %arg4[%add3A_15] : memref<16384xi32, #tpu.memory_space<hbm>> -> memref<128xi32, #tpu.memory_space<hbm>>
      tpu.enqueue_dma source(%dma_start3A_160 : memref<128xi32, #tpu.memory_space<hbm>>) target(%dma_start3A_159 : memref<128xi32, #tpu.memory_space<vmem>>) target_semaphore(%run_scoped3A_152 : memref<!tpu.dma_semaphore, #tpu.memory_space<semaphore_mem>>)
      %dma_wait3A_161 = arith.constant 0 : i32
      %dma_wait3A_162 = tpu.memref_slice %arg8[%run_scoped3A_16, %dma_wait3A_161] : memref<4x128xi32, #tpu.memory_space<vmem>> -> memref<1x128xi32, #tpu.memory_space<vmem>>
      %dma_wait3A_163 = tpu.memref_squeeze %dma_wait3A_162 : memref<1x128xi32, #tpu.memory_space<vmem>> -> memref<128xi32, #tpu.memory_space<vmem>>
      %dma_wait3A_164 = tpu.memref_slice %arg4[%add3A_15] : memref<16384xi32, #tpu.memory_space<hbm>> -> memref<128xi32, #tpu.memory_space<hbm>>
      %dma_wait3A_165 = arith.constant 0 : i32
      %dma_wait3A_166 = tpu.memref_slice %arg8[%run_scoped3A_16, %dma_wait3A_165] : memref<4x128xi32, #tpu.memory_space<vmem>> -> memref<1x128xi32, #tpu.memory_space<vmem>>
      %dma_wait3A_167 = tpu.memref_squeeze %dma_wait3A_166 : memref<1x128xi32, #tpu.memory_space<vmem>> -> memref<128xi32, #tpu.memory_space<vmem>>
      %dma_wait3A_168 = tpu.memref_slice %arg4[%add3A_15] : memref<16384xi32, #tpu.memory_space<hbm>> -> memref<128xi32, #tpu.memory_space<hbm>>
      tpu.wait_dma2 semaphore(%run_scoped3A_152 : memref<!tpu.dma_semaphore, #tpu.memory_space<semaphore_mem>>) src(%dma_wait3A_168 : memref<128xi32, #tpu.memory_space<hbm>>) dst(%dma_wait3A_167 : memref<128xi32, #tpu.memory_space<vmem>>)
      tpu.yield
    }) : () -> ()
    %add3A_17 = arith.constant 256 : i32
    %add3A_18 = arith.addi %mul3A_2, %add3A_17 : i32
    %run_scoped3A_19 = arith.constant 2 : i32
    "tpu.region"() ({
      %run_scoped3A_152 = tpu.sem_alloc : memref<!tpu.dma_semaphore, #tpu.memory_space<semaphore_mem>>
      %dma_start3A_153 = arith.constant 0 : i32
      %dma_start3A_154 = tpu.memref_slice %arg9[%run_scoped3A_19, %dma_start3A_153] : memref<4x128xi32, #tpu.memory_space<vmem>> -> memref<1x128xi32, #tpu.memory_space<vmem>>
      %dma_start3A_155 = tpu.memref_squeeze %dma_start3A_154 : memref<1x128xi32, #tpu.memory_space<vmem>> -> memref<128xi32, #tpu.memory_space<vmem>>
      %dma_start3A_156 = tpu.memref_slice %arg5[%add3A_18] : memref<16384xi32, #tpu.memory_space<hbm>> -> memref<128xi32, #tpu.memory_space<hbm>>
      %dma_start3A_157 = arith.constant 0 : i32
      %dma_start3A_158 = tpu.memref_slice %arg9[%run_scoped3A_19, %dma_start3A_157] : memref<4x128xi32, #tpu.memory_space<vmem>> -> memref<1x128xi32, #tpu.memory_space<vmem>>
      %dma_start3A_159 = tpu.memref_squeeze %dma_start3A_158 : memref<1x128xi32, #tpu.memory_space<vmem>> -> memref<128xi32, #tpu.memory_space<vmem>>
      %dma_start3A_160 = tpu.memref_slice %arg5[%add3A_18] : memref<16384xi32, #tpu.memory_space<hbm>> -> memref<128xi32, #tpu.memory_space<hbm>>
      tpu.enqueue_dma source(%dma_start3A_160 : memref<128xi32, #tpu.memory_space<hbm>>) target(%dma_start3A_159 : memref<128xi32, #tpu.memory_space<vmem>>) target_semaphore(%run_scoped3A_152 : memref<!tpu.dma_semaphore, #tpu.memory_space<semaphore_mem>>)
      %dma_wait3A_161 = arith.constant 0 : i32
      %dma_wait3A_162 = tpu.memref_slice %arg9[%run_scoped3A_19, %dma_wait3A_161] : memref<4x128xi32, #tpu.memory_space<vmem>> -> memref<1x128xi32, #tpu.memory_space<vmem>>
      %dma_wait3A_163 = tpu.memref_squeeze %dma_wait3A_162 : memref<1x128xi32, #tpu.memory_space<vmem>> -> memref<128xi32, #tpu.memory_space<vmem>>
      %dma_wait3A_164 = tpu.memref_slice %arg5[%add3A_18] : memref<16384xi32, #tpu.memory_space<hbm>> -> memref<128xi32, #tpu.memory_space<hbm>>
      %dma_wait3A_165 = arith.constant 0 : i32
      %dma_wait3A_166 = tpu.memref_slice %arg9[%run_scoped3A_19, %dma_wait3A_165] : memref<4x128xi32, #tpu.memory_space<vmem>> -> memref<1x128xi32, #tpu.memory_space<vmem>>
      %dma_wait3A_167 = tpu.memref_squeeze %dma_wait3A_166 : memref<1x128xi32, #tpu.memory_space<vmem>> -> memref<128xi32, #tpu.memory_space<vmem>>
      %dma_wait3A_168 = tpu.memref_slice %arg5[%add3A_18] : memref<16384xi32, #tpu.memory_space<hbm>> -> memref<128xi32, #tpu.memory_space<hbm>>
      tpu.wait_dma2 semaphore(%run_scoped3A_152 : memref<!tpu.dma_semaphore, #tpu.memory_space<semaphore_mem>>) src(%dma_wait3A_168 : memref<128xi32, #tpu.memory_space<hbm>>) dst(%dma_wait3A_167 : memref<128xi32, #tpu.memory_space<vmem>>)
      tpu.yield
    }) : () -> ()
    %add3A_20 = arith.constant 384 : i32
    %add3A_21 = arith.addi %mul3A_2, %add3A_20 : i32
    %run_scoped3A_22 = arith.constant 3 : i32
    "tpu.region"() ({
      %run_scoped3A_152 = tpu.sem_alloc : memref<!tpu.dma_semaphore, #tpu.memory_space<semaphore_mem>>
      %dma_start3A_153 = arith.constant 0 : i32
      %dma_start3A_154 = tpu.memref_slice %arg8[%run_scoped3A_22, %dma_start3A_153] : memref<4x128xi32, #tpu.memory_space<vmem>> -> memref<1x128xi32, #tpu.memory_space<vmem>>
      %dma_start3A_155 = tpu.memref_squeeze %dma_start3A_154 : memref<1x128xi32, #tpu.memory_space<vmem>> -> memref<128xi32, #tpu.memory_space<vmem>>
      %dma_start3A_156 = tpu.memref_slice %arg4[%add3A_21] : memref<16384xi32, #tpu.memory_space<hbm>> -> memref<128xi32, #tpu.memory_space<hbm>>
      %dma_start3A_157 = arith.constant 0 : i32
      %dma_start3A_158 = tpu.memref_slice %arg8[%run_scoped3A_22, %dma_start3A_157] : memref<4x128xi32, #tpu.memory_space<vmem>> -> memref<1x128xi32, #tpu.memory_space<vmem>>
      %dma_start3A_159 = tpu.memref_squeeze %dma_start3A_158 : memref<1x128xi32, #tpu.memory_space<vmem>> -> memref<128xi32, #tpu.memory_space<vmem>>
      %dma_start3A_160 = tpu.memref_slice %arg4[%add3A_21] : memref<16384xi32, #tpu.memory_space<hbm>> -> memref<128xi32, #tpu.memory_space<hbm>>
      tpu.enqueue_dma source(%dma_start3A_160 : memref<128xi32, #tpu.memory_space<hbm>>) target(%dma_start3A_159 : memref<128xi32, #tpu.memory_space<vmem>>) target_semaphore(%run_scoped3A_152 : memref<!tpu.dma_semaphore, #tpu.memory_space<semaphore_mem>>)
      %dma_wait3A_161 = arith.constant 0 : i32
      %dma_wait3A_162 = tpu.memref_slice %arg8[%run_scoped3A_22, %dma_wait3A_161] : memref<4x128xi32, #tpu.memory_space<vmem>> -> memref<1x128xi32, #tpu.memory_space<vmem>>
      %dma_wait3A_163 = tpu.memref_squeeze %dma_wait3A_162 : memref<1x128xi32, #tpu.memory_space<vmem>> -> memref<128xi32, #tpu.memory_space<vmem>>
      %dma_wait3A_164 = tpu.memref_slice %arg4[%add3A_21] : memref<16384xi32, #tpu.memory_space<hbm>> -> memref<128xi32, #tpu.memory_space<hbm>>
      %dma_wait3A_165 = arith.constant 0 : i32
      %dma_wait3A_166 = tpu.memref_slice %arg8[%run_scoped3A_22, %dma_wait3A_165] : memref<4x128xi32, #tpu.memory_space<vmem>> -> memref<1x128xi32, #tpu.memory_space<vmem>>
      %dma_wait3A_167 = tpu.memref_squeeze %dma_wait3A_166 : memref<1x128xi32, #tpu.memory_space<vmem>> -> memref<128xi32, #tpu.memory_space<vmem>>
      %dma_wait3A_168 = tpu.memref_slice %arg4[%add3A_21] : memref<16384xi32, #tpu.memory_space<hbm>> -> memref<128xi32, #tpu.memory_space<hbm>>
      tpu.wait_dma2 semaphore(%run_scoped3A_152 : memref<!tpu.dma_semaphore, #tpu.memory_space<semaphore_mem>>) src(%dma_wait3A_168 : memref<128xi32, #tpu.memory_space<hbm>>) dst(%dma_wait3A_167 : memref<128xi32, #tpu.memory_space<vmem>>)
      tpu.yield
    }) : () -> ()
    %add3A_23 = arith.constant 384 : i32
    %add3A_24 = arith.addi %mul3A_2, %add3A_23 : i32
    %run_scoped3A_25 = arith.constant 3 : i32
    "tpu.region"() ({
      %run_scoped3A_152 = tpu.sem_alloc : memref<!tpu.dma_semaphore, #tpu.memory_space<semaphore_mem>>
      %dma_start3A_153 = arith.constant 0 : i32
      %dma_start3A_154 = tpu.memref_slice %arg9[%run_scoped3A_25, %dma_start3A_153] : memref<4x128xi32, #tpu.memory_space<vmem>> -> memref<1x128xi32, #tpu.memory_space<vmem>>
      %dma_start3A_155 = tpu.memref_squeeze %dma_start3A_154 : memref<1x128xi32, #tpu.memory_space<vmem>> -> memref<128xi32, #tpu.memory_space<vmem>>
      %dma_start3A_156 = tpu.memref_slice %arg5[%add3A_24] : memref<16384xi32, #tpu.memory_space<hbm>> -> memref<128xi32, #tpu.memory_space<hbm>>
      %dma_start3A_157 = arith.constant 0 : i32
      %dma_start3A_158 = tpu.memref_slice %arg9[%run_scoped3A_25, %dma_start3A_157] : memref<4x128xi32, #tpu.memory_space<vmem>> -> memref<1x128xi32, #tpu.memory_space<vmem>>
      %dma_start3A_159 = tpu.memref_squeeze %dma_start3A_158 : memref<1x128xi32, #tpu.memory_space<vmem>> -> memref<128xi32, #tpu.memory_space<vmem>>
      %dma_start3A_160 = tpu.memref_slice %arg5[%add3A_24] : memref<16384xi32, #tpu.memory_space<hbm>> -> memref<128xi32, #tpu.memory_space<hbm>>
      tpu.enqueue_dma source(%dma_start3A_160 : memref<128xi32, #tpu.memory_space<hbm>>) target(%dma_start3A_159 : memref<128xi32, #tpu.memory_space<vmem>>) target_semaphore(%run_scoped3A_152 : memref<!tpu.dma_semaphore, #tpu.memory_space<semaphore_mem>>)
      %dma_wait3A_161 = arith.constant 0 : i32
      %dma_wait3A_162 = tpu.memref_slice %arg9[%run_scoped3A_25, %dma_wait3A_161] : memref<4x128xi32, #tpu.memory_space<vmem>> -> memref<1x128xi32, #tpu.memory_space<vmem>>
      %dma_wait3A_163 = tpu.memref_squeeze %dma_wait3A_162 : memref<1x128xi32, #tpu.memory_space<vmem>> -> memref<128xi32, #tpu.memory_space<vmem>>
      %dma_wait3A_164 = tpu.memref_slice %arg5[%add3A_24] : memref<16384xi32, #tpu.memory_space<hbm>> -> memref<128xi32, #tpu.memory_space<hbm>>
      %dma_wait3A_165 = arith.constant 0 : i32
      %dma_wait3A_166 = tpu.memref_slice %arg9[%run_scoped3A_25, %dma_wait3A_165] : memref<4x128xi32, #tpu.memory_space<vmem>> -> memref<1x128xi32, #tpu.memory_space<vmem>>
      %dma_wait3A_167 = tpu.memref_squeeze %dma_wait3A_166 : memref<1x128xi32, #tpu.memory_space<vmem>> -> memref<128xi32, #tpu.memory_space<vmem>>
      %dma_wait3A_168 = tpu.memref_slice %arg5[%add3A_24] : memref<16384xi32, #tpu.memory_space<hbm>> -> memref<128xi32, #tpu.memory_space<hbm>>
      tpu.wait_dma2 semaphore(%run_scoped3A_152 : memref<!tpu.dma_semaphore, #tpu.memory_space<semaphore_mem>>) src(%dma_wait3A_168 : memref<128xi32, #tpu.memory_space<hbm>>) dst(%dma_wait3A_167 : memref<128xi32, #tpu.memory_space<vmem>>)
      tpu.yield
    }) : () -> ()
    %dma_start3A = arith.constant 0 : i32
    %dma_start3A_26 = arith.constant 0 : i32
    %dma_start3A_27 = tpu.memref_slice %arg8[%dma_start3A, %dma_start3A_26] : memref<4x128xi32, #tpu.memory_space<vmem>> -> memref<1x128xi32, #tpu.memory_space<vmem>>
    %dma_start3A_28 = tpu.memref_squeeze %dma_start3A_27 : memref<1x128xi32, #tpu.memory_space<vmem>> -> memref<128xi32, #tpu.memory_space<vmem>>
    %dma_start3A_29 = arith.constant 0 : i32
    %dma_start3A_30 = arith.constant 0 : i32
    %dma_start3A_31 = tpu.memref_slice %arg2[%dma_start3A_29, %dma_start3A_30] : memref<251904x128xf32, #tpu.memory_space<hbm>> -> memref<251904x128xf32, #tpu.memory_space<hbm>>
    tpu.enqueue_indirect_dma source(%dma_start3A_31 : memref<251904x128xf32, #tpu.memory_space<hbm>>) target(%arg10 : memref<128x128xf32, #tpu.memory_space<vmem>>) offsets(%dma_start3A_28 : memref<128xi32, #tpu.memory_space<vmem>>) semaphore(%arg12 : memref<!tpu.dma_semaphore, #tpu.memory_space<semaphore_mem>>)
    %dma_start3A_32 = arith.constant 0 : i32
    %dma_start3A_33 = arith.constant 0 : i32
    %dma_start3A_34 = tpu.memref_slice %arg9[%dma_start3A_32, %dma_start3A_33] : memref<4x128xi32, #tpu.memory_space<vmem>> -> memref<1x128xi32, #tpu.memory_space<vmem>>
    %dma_start3A_35 = tpu.memref_squeeze %dma_start3A_34 : memref<1x128xi32, #tpu.memory_space<vmem>> -> memref<128xi32, #tpu.memory_space<vmem>>
    %dma_start3A_36 = arith.constant 0 : i32
    %dma_start3A_37 = arith.constant 0 : i32
    %dma_start3A_38 = tpu.memref_slice %arg3[%dma_start3A_36, %dma_start3A_37] : memref<251904x128xf32, #tpu.memory_space<hbm>> -> memref<251904x128xf32, #tpu.memory_space<hbm>>
    tpu.enqueue_indirect_dma source(%dma_start3A_38 : memref<251904x128xf32, #tpu.memory_space<hbm>>) target(%arg11 : memref<128x128xf32, #tpu.memory_space<vmem>>) offsets(%dma_start3A_35 : memref<128xi32, #tpu.memory_space<vmem>>) semaphore(%arg13 : memref<!tpu.dma_semaphore, #tpu.memory_space<semaphore_mem>>)
    %dma_wait3A = arith.constant 0 : i32
    %dma_wait3A_39 = arith.constant 0 : i32
    %dma_wait3A_40 = tpu.memref_slice %arg8[%dma_wait3A, %dma_wait3A_39] : memref<4x128xi32, #tpu.memory_space<vmem>> -> memref<1x128xi32, #tpu.memory_space<vmem>>
    %dma_wait3A_41 = tpu.memref_squeeze %dma_wait3A_40 : memref<1x128xi32, #tpu.memory_space<vmem>> -> memref<128xi32, #tpu.memory_space<vmem>>
    %dma_wait3A_42 = arith.constant 0 : i32
    %dma_wait3A_43 = arith.constant 0 : i32
    %dma_wait3A_44 = tpu.memref_slice %arg2[%dma_wait3A_42, %dma_wait3A_43] : memref<251904x128xf32, #tpu.memory_space<hbm>> -> memref<251904x128xf32, #tpu.memory_space<hbm>>
    tpu.wait_indirect_dma semaphore(%arg12 : memref<!tpu.dma_semaphore, #tpu.memory_space<semaphore_mem>>) src(%dma_wait3A_44 : memref<251904x128xf32, #tpu.memory_space<hbm>>) dst(%arg10 : memref<128x128xf32, #tpu.memory_space<vmem>>)
    %dma_wait3A_45 = arith.constant 0 : i32
    %dma_wait3A_46 = arith.constant 0 : i32
    %dma_wait3A_47 = tpu.memref_slice %arg9[%dma_wait3A_45, %dma_wait3A_46] : memref<4x128xi32, #tpu.memory_space<vmem>> -> memref<1x128xi32, #tpu.memory_space<vmem>>
    %dma_wait3A_48 = tpu.memref_squeeze %dma_wait3A_47 : memref<1x128xi32, #tpu.memory_space<vmem>> -> memref<128xi32, #tpu.memory_space<vmem>>
    %dma_wait3A_49 = arith.constant 0 : i32
    %dma_wait3A_50 = arith.constant 0 : i32
    %dma_wait3A_51 = tpu.memref_slice %arg3[%dma_wait3A_49, %dma_wait3A_50] : memref<251904x128xf32, #tpu.memory_space<hbm>> -> memref<251904x128xf32, #tpu.memory_space<hbm>>
    tpu.wait_indirect_dma semaphore(%arg13 : memref<!tpu.dma_semaphore, #tpu.memory_space<semaphore_mem>>) src(%dma_wait3A_51 : memref<251904x128xf32, #tpu.memory_space<hbm>>) dst(%arg11 : memref<128x128xf32, #tpu.memory_space<vmem>>)
    %add3A_52 = arith.constant 0 : i32
    %add3A_53 = arith.addi %mul3A_2, %add3A_52 : i32
    "tpu.region"() ({
      %run_scoped3A_152 = tpu.sem_alloc : memref<!tpu.dma_semaphore, #tpu.memory_space<semaphore_mem>>
      %dma_start3A_153 = arith.constant 0 : i32
      %dma_start3A_154 = tpu.memref_slice %arg6[%add3A_53, %dma_start3A_153] : memref<16384x128xf32, #tpu.memory_space<hbm>> -> memref<128x128xf32, #tpu.memory_space<hbm>>
      %dma_start3A_155 = arith.constant 0 : i32
      %dma_start3A_156 = tpu.memref_slice %arg6[%add3A_53, %dma_start3A_155] : memref<16384x128xf32, #tpu.memory_space<hbm>> -> memref<128x128xf32, #tpu.memory_space<hbm>>
      tpu.enqueue_dma source(%arg10 : memref<128x128xf32, #tpu.memory_space<vmem>>) target(%dma_start3A_156 : memref<128x128xf32, #tpu.memory_space<hbm>>) target_semaphore(%run_scoped3A_152 : memref<!tpu.dma_semaphore, #tpu.memory_space<semaphore_mem>>)
      %dma_wait3A_157 = arith.constant 0 : i32
      %dma_wait3A_158 = tpu.memref_slice %arg6[%add3A_53, %dma_wait3A_157] : memref<16384x128xf32, #tpu.memory_space<hbm>> -> memref<128x128xf32, #tpu.memory_space<hbm>>
      %dma_wait3A_159 = arith.constant 0 : i32
      %dma_wait3A_160 = tpu.memref_slice %arg6[%add3A_53, %dma_wait3A_159] : memref<16384x128xf32, #tpu.memory_space<hbm>> -> memref<128x128xf32, #tpu.memory_space<hbm>>
      tpu.wait_dma2 semaphore(%run_scoped3A_152 : memref<!tpu.dma_semaphore, #tpu.memory_space<semaphore_mem>>) src(%arg10 : memref<128x128xf32, #tpu.memory_space<vmem>>) dst(%dma_wait3A_160 : memref<128x128xf32, #tpu.memory_space<hbm>>)
      tpu.yield
    }) : () -> ()
    %add3A_54 = arith.constant 0 : i32
    %add3A_55 = arith.addi %mul3A_2, %add3A_54 : i32
    "tpu.region"() ({
      %run_scoped3A_152 = tpu.sem_alloc : memref<!tpu.dma_semaphore, #tpu.memory_space<semaphore_mem>>
      %dma_start3A_153 = arith.constant 0 : i32
      %dma_start3A_154 = tpu.memref_slice %arg7[%add3A_55, %dma_start3A_153] : memref<16384x128xf32, #tpu.memory_space<hbm>> -> memref<128x128xf32, #tpu.memory_space<hbm>>
      %dma_start3A_155 = arith.constant 0 : i32
      %dma_start3A_156 = tpu.memref_slice %arg7[%add3A_55, %dma_start3A_155] : memref<16384x128xf32, #tpu.memory_space<hbm>> -> memref<128x128xf32, #tpu.memory_space<hbm>>
      tpu.enqueue_dma source(%arg11 : memref<128x128xf32, #tpu.memory_space<vmem>>) target(%dma_start3A_156 : memref<128x128xf32, #tpu.memory_space<hbm>>) target_semaphore(%run_scoped3A_152 : memref<!tpu.dma_semaphore, #tpu.memory_space<semaphore_mem>>)
      %dma_wait3A_157 = arith.constant 0 : i32
      %dma_wait3A_158 = tpu.memref_slice %arg7[%add3A_55, %dma_wait3A_157] : memref<16384x128xf32, #tpu.memory_space<hbm>> -> memref<128x128xf32, #tpu.memory_space<hbm>>
      %dma_wait3A_159 = arith.constant 0 : i32
      %dma_wait3A_160 = tpu.memref_slice %arg7[%add3A_55, %dma_wait3A_159] : memref<16384x128xf32, #tpu.memory_space<hbm>> -> memref<128x128xf32, #tpu.memory_space<hbm>>
      tpu.wait_dma2 semaphore(%run_scoped3A_152 : memref<!tpu.dma_semaphore, #tpu.memory_space<semaphore_mem>>) src(%arg11 : memref<128x128xf32, #tpu.memory_space<vmem>>) dst(%dma_wait3A_160 : memref<128x128xf32, #tpu.memory_space<hbm>>)
      tpu.yield
    }) : () -> ()
    %dma_start3A_56 = arith.constant 1 : i32
    %dma_start3A_57 = arith.constant 0 : i32
    %dma_start3A_58 = tpu.memref_slice %arg8[%dma_start3A_56, %dma_start3A_57] : memref<4x128xi32, #tpu.memory_space<vmem>> -> memref<1x128xi32, #tpu.memory_space<vmem>>
    %dma_start3A_59 = tpu.memref_squeeze %dma_start3A_58 : memref<1x128xi32, #tpu.memory_space<vmem>> -> memref<128xi32, #tpu.memory_space<vmem>>
    %dma_start3A_60 = arith.constant 0 : i32
    %dma_start3A_61 = arith.constant 0 : i32
    %dma_start3A_62 = tpu.memref_slice %arg2[%dma_start3A_60, %dma_start3A_61] : memref<251904x128xf32, #tpu.memory_space<hbm>> -> memref<251904x128xf32, #tpu.memory_space<hbm>>
    tpu.enqueue_indirect_dma source(%dma_start3A_62 : memref<251904x128xf32, #tpu.memory_space<hbm>>) target(%arg10 : memref<128x128xf32, #tpu.memory_space<vmem>>) offsets(%dma_start3A_59 : memref<128xi32, #tpu.memory_space<vmem>>) semaphore(%arg12 : memref<!tpu.dma_semaphore, #tpu.memory_space<semaphore_mem>>)
    %dma_start3A_63 = arith.constant 1 : i32
    %dma_start3A_64 = arith.constant 0 : i32
    %dma_start3A_65 = tpu.memref_slice %arg9[%dma_start3A_63, %dma_start3A_64] : memref<4x128xi32, #tpu.memory_space<vmem>> -> memref<1x128xi32, #tpu.memory_space<vmem>>
    %dma_start3A_66 = tpu.memref_squeeze %dma_start3A_65 : memref<1x128xi32, #tpu.memory_space<vmem>> -> memref<128xi32, #tpu.memory_space<vmem>>
    %dma_start3A_67 = arith.constant 0 : i32
    %dma_start3A_68 = arith.constant 0 : i32
    %dma_start3A_69 = tpu.memref_slice %arg3[%dma_start3A_67, %dma_start3A_68] : memref<251904x128xf32, #tpu.memory_space<hbm>> -> memref<251904x128xf32, #tpu.memory_space<hbm>>
    tpu.enqueue_indirect_dma source(%dma_start3A_69 : memref<251904x128xf32, #tpu.memory_space<hbm>>) target(%arg11 : memref<128x128xf32, #tpu.memory_space<vmem>>) offsets(%dma_start3A_66 : memref<128xi32, #tpu.memory_space<vmem>>) semaphore(%arg13 : memref<!tpu.dma_semaphore, #tpu.memory_space<semaphore_mem>>)
    %dma_wait3A_70 = arith.constant 1 : i32
    %dma_wait3A_71 = arith.constant 0 : i32
    %dma_wait3A_72 = tpu.memref_slice %arg8[%dma_wait3A_70, %dma_wait3A_71] : memref<4x128xi32, #tpu.memory_space<vmem>> -> memref<1x128xi32, #tpu.memory_space<vmem>>
    %dma_wait3A_73 = tpu.memref_squeeze %dma_wait3A_72 : memref<1x128xi32, #tpu.memory_space<vmem>> -> memref<128xi32, #tpu.memory_space<vmem>>
    %dma_wait3A_74 = arith.constant 0 : i32
    %dma_wait3A_75 = arith.constant 0 : i32
    %dma_wait3A_76 = tpu.memref_slice %arg2[%dma_wait3A_74, %dma_wait3A_75] : memref<251904x128xf32, #tpu.memory_space<hbm>> -> memref<251904x128xf32, #tpu.memory_space<hbm>>
    tpu.wait_indirect_dma semaphore(%arg12 : memref<!tpu.dma_semaphore, #tpu.memory_space<semaphore_mem>>) src(%dma_wait3A_76 : memref<251904x128xf32, #tpu.memory_space<hbm>>) dst(%arg10 : memref<128x128xf32, #tpu.memory_space<vmem>>)
    %dma_wait3A_77 = arith.constant 1 : i32
    %dma_wait3A_78 = arith.constant 0 : i32
    %dma_wait3A_79 = tpu.memref_slice %arg9[%dma_wait3A_77, %dma_wait3A_78] : memref<4x128xi32, #tpu.memory_space<vmem>> -> memref<1x128xi32, #tpu.memory_space<vmem>>
    %dma_wait3A_80 = tpu.memref_squeeze %dma_wait3A_79 : memref<1x128xi32, #tpu.memory_space<vmem>> -> memref<128xi32, #tpu.memory_space<vmem>>
    %dma_wait3A_81 = arith.constant 0 : i32
    %dma_wait3A_82 = arith.constant 0 : i32
    %dma_wait3A_83 = tpu.memref_slice %arg3[%dma_wait3A_81, %dma_wait3A_82] : memref<251904x128xf32, #tpu.memory_space<hbm>> -> memref<251904x128xf32, #tpu.memory_space<hbm>>
    tpu.wait_indirect_dma semaphore(%arg13 : memref<!tpu.dma_semaphore, #tpu.memory_space<semaphore_mem>>) src(%dma_wait3A_83 : memref<251904x128xf32, #tpu.memory_space<hbm>>) dst(%arg11 : memref<128x128xf32, #tpu.memory_space<vmem>>)
    %add3A_84 = arith.constant 128 : i32
    %add3A_85 = arith.addi %mul3A_2, %add3A_84 : i32
    "tpu.region"() ({
      %run_scoped3A_152 = tpu.sem_alloc : memref<!tpu.dma_semaphore, #tpu.memory_space<semaphore_mem>>
      %dma_start3A_153 = arith.constant 0 : i32
      %dma_start3A_154 = tpu.memref_slice %arg6[%add3A_85, %dma_start3A_153] : memref<16384x128xf32, #tpu.memory_space<hbm>> -> memref<128x128xf32, #tpu.memory_space<hbm>>
      %dma_start3A_155 = arith.constant 0 : i32
      %dma_start3A_156 = tpu.memref_slice %arg6[%add3A_85, %dma_start3A_155] : memref<16384x128xf32, #tpu.memory_space<hbm>> -> memref<128x128xf32, #tpu.memory_space<hbm>>
      tpu.enqueue_dma source(%arg10 : memref<128x128xf32, #tpu.memory_space<vmem>>) target(%dma_start3A_156 : memref<128x128xf32, #tpu.memory_space<hbm>>) target_semaphore(%run_scoped3A_152 : memref<!tpu.dma_semaphore, #tpu.memory_space<semaphore_mem>>)
      %dma_wait3A_157 = arith.constant 0 : i32
      %dma_wait3A_158 = tpu.memref_slice %arg6[%add3A_85, %dma_wait3A_157] : memref<16384x128xf32, #tpu.memory_space<hbm>> -> memref<128x128xf32, #tpu.memory_space<hbm>>
      %dma_wait3A_159 = arith.constant 0 : i32
      %dma_wait3A_160 = tpu.memref_slice %arg6[%add3A_85, %dma_wait3A_159] : memref<16384x128xf32, #tpu.memory_space<hbm>> -> memref<128x128xf32, #tpu.memory_space<hbm>>
      tpu.wait_dma2 semaphore(%run_scoped3A_152 : memref<!tpu.dma_semaphore, #tpu.memory_space<semaphore_mem>>) src(%arg10 : memref<128x128xf32, #tpu.memory_space<vmem>>) dst(%dma_wait3A_160 : memref<128x128xf32, #tpu.memory_space<hbm>>)
      tpu.yield
    }) : () -> ()
    %add3A_86 = arith.constant 128 : i32
    %add3A_87 = arith.addi %mul3A_2, %add3A_86 : i32
    "tpu.region"() ({
      %run_scoped3A_152 = tpu.sem_alloc : memref<!tpu.dma_semaphore, #tpu.memory_space<semaphore_mem>>
      %dma_start3A_153 = arith.constant 0 : i32
      %dma_start3A_154 = tpu.memref_slice %arg7[%add3A_87, %dma_start3A_153] : memref<16384x128xf32, #tpu.memory_space<hbm>> -> memref<128x128xf32, #tpu.memory_space<hbm>>
      %dma_start3A_155 = arith.constant 0 : i32
      %dma_start3A_156 = tpu.memref_slice %arg7[%add3A_87, %dma_start3A_155] : memref<16384x128xf32, #tpu.memory_space<hbm>> -> memref<128x128xf32, #tpu.memory_space<hbm>>
      tpu.enqueue_dma source(%arg11 : memref<128x128xf32, #tpu.memory_space<vmem>>) target(%dma_start3A_156 : memref<128x128xf32, #tpu.memory_space<hbm>>) target_semaphore(%run_scoped3A_152 : memref<!tpu.dma_semaphore, #tpu.memory_space<semaphore_mem>>)
      %dma_wait3A_157 = arith.constant 0 : i32
      %dma_wait3A_158 = tpu.memref_slice %arg7[%add3A_87, %dma_wait3A_157] : memref<16384x128xf32, #tpu.memory_space<hbm>> -> memref<128x128xf32, #tpu.memory_space<hbm>>
      %dma_wait3A_159 = arith.constant 0 : i32
      %dma_wait3A_160 = tpu.memref_slice %arg7[%add3A_87, %dma_wait3A_159] : memref<16384x128xf32, #tpu.memory_space<hbm>> -> memref<128x128xf32, #tpu.memory_space<hbm>>
      tpu.wait_dma2 semaphore(%run_scoped3A_152 : memref<!tpu.dma_semaphore, #tpu.memory_space<semaphore_mem>>) src(%arg11 : memref<128x128xf32, #tpu.memory_space<vmem>>) dst(%dma_wait3A_160 : memref<128x128xf32, #tpu.memory_space<hbm>>)
      tpu.yield
    }) : () -> ()
    %dma_start3A_88 = arith.constant 2 : i32
    %dma_start3A_89 = arith.constant 0 : i32
    %dma_start3A_90 = tpu.memref_slice %arg8[%dma_start3A_88, %dma_start3A_89] : memref<4x128xi32, #tpu.memory_space<vmem>> -> memref<1x128xi32, #tpu.memory_space<vmem>>
    %dma_start3A_91 = tpu.memref_squeeze %dma_start3A_90 : memref<1x128xi32, #tpu.memory_space<vmem>> -> memref<128xi32, #tpu.memory_space<vmem>>
    %dma_start3A_92 = arith.constant 0 : i32
    %dma_start3A_93 = arith.constant 0 : i32
    %dma_start3A_94 = tpu.memref_slice %arg2[%dma_start3A_92, %dma_start3A_93] : memref<251904x128xf32, #tpu.memory_space<hbm>> -> memref<251904x128xf32, #tpu.memory_space<hbm>>
    tpu.enqueue_indirect_dma source(%dma_start3A_94 : memref<251904x128xf32, #tpu.memory_space<hbm>>) target(%arg10 : memref<128x128xf32, #tpu.memory_space<vmem>>) offsets(%dma_start3A_91 : memref<128xi32, #tpu.memory_space<vmem>>) semaphore(%arg12 : memref<!tpu.dma_semaphore, #tpu.memory_space<semaphore_mem>>)
    %dma_start3A_95 = arith.constant 2 : i32
    %dma_start3A_96 = arith.constant 0 : i32
    %dma_start3A_97 = tpu.memref_slice %arg9[%dma_start3A_95, %dma_start3A_96] : memref<4x128xi32, #tpu.memory_space<vmem>> -> memref<1x128xi32, #tpu.memory_space<vmem>>
    %dma_start3A_98 = tpu.memref_squeeze %dma_start3A_97 : memref<1x128xi32, #tpu.memory_space<vmem>> -> memref<128xi32, #tpu.memory_space<vmem>>
    %dma_start3A_99 = arith.constant 0 : i32
    %dma_start3A_100 = arith.constant 0 : i32
    %dma_start3A_101 = tpu.memref_slice %arg3[%dma_start3A_99, %dma_start3A_100] : memref<251904x128xf32, #tpu.memory_space<hbm>> -> memref<251904x128xf32, #tpu.memory_space<hbm>>
    tpu.enqueue_indirect_dma source(%dma_start3A_101 : memref<251904x128xf32, #tpu.memory_space<hbm>>) target(%arg11 : memref<128x128xf32, #tpu.memory_space<vmem>>) offsets(%dma_start3A_98 : memref<128xi32, #tpu.memory_space<vmem>>) semaphore(%arg13 : memref<!tpu.dma_semaphore, #tpu.memory_space<semaphore_mem>>)
    %dma_wait3A_102 = arith.constant 2 : i32
    %dma_wait3A_103 = arith.constant 0 : i32
    %dma_wait3A_104 = tpu.memref_slice %arg8[%dma_wait3A_102, %dma_wait3A_103] : memref<4x128xi32, #tpu.memory_space<vmem>> -> memref<1x128xi32, #tpu.memory_space<vmem>>
    %dma_wait3A_105 = tpu.memref_squeeze %dma_wait3A_104 : memref<1x128xi32, #tpu.memory_space<vmem>> -> memref<128xi32, #tpu.memory_space<vmem>>
    %dma_wait3A_106 = arith.constant 0 : i32
    %dma_wait3A_107 = arith.constant 0 : i32
    %dma_wait3A_108 = tpu.memref_slice %arg2[%dma_wait3A_106, %dma_wait3A_107] : memref<251904x128xf32, #tpu.memory_space<hbm>> -> memref<251904x128xf32, #tpu.memory_space<hbm>>
    tpu.wait_indirect_dma semaphore(%arg12 : memref<!tpu.dma_semaphore, #tpu.memory_space<semaphore_mem>>) src(%dma_wait3A_108 : memref<251904x128xf32, #tpu.memory_space<hbm>>) dst(%arg10 : memref<128x128xf32, #tpu.memory_space<vmem>>)
    %dma_wait3A_109 = arith.constant 2 : i32
    %dma_wait3A_110 = arith.constant 0 : i32
    %dma_wait3A_111 = tpu.memref_slice %arg9[%dma_wait3A_109, %dma_wait3A_110] : memref<4x128xi32, #tpu.memory_space<vmem>> -> memref<1x128xi32, #tpu.memory_space<vmem>>
    %dma_wait3A_112 = tpu.memref_squeeze %dma_wait3A_111 : memref<1x128xi32, #tpu.memory_space<vmem>> -> memref<128xi32, #tpu.memory_space<vmem>>
    %dma_wait3A_113 = arith.constant 0 : i32
    %dma_wait3A_114 = arith.constant 0 : i32
    %dma_wait3A_115 = tpu.memref_slice %arg3[%dma_wait3A_113, %dma_wait3A_114] : memref<251904x128xf32, #tpu.memory_space<hbm>> -> memref<251904x128xf32, #tpu.memory_space<hbm>>
    tpu.wait_indirect_dma semaphore(%arg13 : memref<!tpu.dma_semaphore, #tpu.memory_space<semaphore_mem>>) src(%dma_wait3A_115 : memref<251904x128xf32, #tpu.memory_space<hbm>>) dst(%arg11 : memref<128x128xf32, #tpu.memory_space<vmem>>)
    %add3A_116 = arith.constant 256 : i32
    %add3A_117 = arith.addi %mul3A_2, %add3A_116 : i32
    "tpu.region"() ({
      %run_scoped3A_152 = tpu.sem_alloc : memref<!tpu.dma_semaphore, #tpu.memory_space<semaphore_mem>>
      %dma_start3A_153 = arith.constant 0 : i32
      %dma_start3A_154 = tpu.memref_slice %arg6[%add3A_117, %dma_start3A_153] : memref<16384x128xf32, #tpu.memory_space<hbm>> -> memref<128x128xf32, #tpu.memory_space<hbm>>
      %dma_start3A_155 = arith.constant 0 : i32
      %dma_start3A_156 = tpu.memref_slice %arg6[%add3A_117, %dma_start3A_155] : memref<16384x128xf32, #tpu.memory_space<hbm>> -> memref<128x128xf32, #tpu.memory_space<hbm>>
      tpu.enqueue_dma source(%arg10 : memref<128x128xf32, #tpu.memory_space<vmem>>) target(%dma_start3A_156 : memref<128x128xf32, #tpu.memory_space<hbm>>) target_semaphore(%run_scoped3A_152 : memref<!tpu.dma_semaphore, #tpu.memory_space<semaphore_mem>>)
      %dma_wait3A_157 = arith.constant 0 : i32
      %dma_wait3A_158 = tpu.memref_slice %arg6[%add3A_117, %dma_wait3A_157] : memref<16384x128xf32, #tpu.memory_space<hbm>> -> memref<128x128xf32, #tpu.memory_space<hbm>>
      %dma_wait3A_159 = arith.constant 0 : i32
      %dma_wait3A_160 = tpu.memref_slice %arg6[%add3A_117, %dma_wait3A_159] : memref<16384x128xf32, #tpu.memory_space<hbm>> -> memref<128x128xf32, #tpu.memory_space<hbm>>
      tpu.wait_dma2 semaphore(%run_scoped3A_152 : memref<!tpu.dma_semaphore, #tpu.memory_space<semaphore_mem>>) src(%arg10 : memref<128x128xf32, #tpu.memory_space<vmem>>) dst(%dma_wait3A_160 : memref<128x128xf32, #tpu.memory_space<hbm>>)
      tpu.yield
    }) : () -> ()
    %add3A_118 = arith.constant 256 : i32
    %add3A_119 = arith.addi %mul3A_2, %add3A_118 : i32
    "tpu.region"() ({
      %run_scoped3A_152 = tpu.sem_alloc : memref<!tpu.dma_semaphore, #tpu.memory_space<semaphore_mem>>
      %dma_start3A_153 = arith.constant 0 : i32
      %dma_start3A_154 = tpu.memref_slice %arg7[%add3A_119, %dma_start3A_153] : memref<16384x128xf32, #tpu.memory_space<hbm>> -> memref<128x128xf32, #tpu.memory_space<hbm>>
      %dma_start3A_155 = arith.constant 0 : i32
      %dma_start3A_156 = tpu.memref_slice %arg7[%add3A_119, %dma_start3A_155] : memref<16384x128xf32, #tpu.memory_space<hbm>> -> memref<128x128xf32, #tpu.memory_space<hbm>>
      tpu.enqueue_dma source(%arg11 : memref<128x128xf32, #tpu.memory_space<vmem>>) target(%dma_start3A_156 : memref<128x128xf32, #tpu.memory_space<hbm>>) target_semaphore(%run_scoped3A_152 : memref<!tpu.dma_semaphore, #tpu.memory_space<semaphore_mem>>)
      %dma_wait3A_157 = arith.constant 0 : i32
      %dma_wait3A_158 = tpu.memref_slice %arg7[%add3A_119, %dma_wait3A_157] : memref<16384x128xf32, #tpu.memory_space<hbm>> -> memref<128x128xf32, #tpu.memory_space<hbm>>
      %dma_wait3A_159 = arith.constant 0 : i32
      %dma_wait3A_160 = tpu.memref_slice %arg7[%add3A_119, %dma_wait3A_159] : memref<16384x128xf32, #tpu.memory_space<hbm>> -> memref<128x128xf32, #tpu.memory_space<hbm>>
      tpu.wait_dma2 semaphore(%run_scoped3A_152 : memref<!tpu.dma_semaphore, #tpu.memory_space<semaphore_mem>>) src(%arg11 : memref<128x128xf32, #tpu.memory_space<vmem>>) dst(%dma_wait3A_160 : memref<128x128xf32, #tpu.memory_space<hbm>>)
      tpu.yield
    }) : () -> ()
    %dma_start3A_120 = arith.constant 3 : i32
    %dma_start3A_121 = arith.constant 0 : i32
    %dma_start3A_122 = tpu.memref_slice %arg8[%dma_start3A_120, %dma_start3A_121] : memref<4x128xi32, #tpu.memory_space<vmem>> -> memref<1x128xi32, #tpu.memory_space<vmem>>
    %dma_start3A_123 = tpu.memref_squeeze %dma_start3A_122 : memref<1x128xi32, #tpu.memory_space<vmem>> -> memref<128xi32, #tpu.memory_space<vmem>>
    %dma_start3A_124 = arith.constant 0 : i32
    %dma_start3A_125 = arith.constant 0 : i32
    %dma_start3A_126 = tpu.memref_slice %arg2[%dma_start3A_124, %dma_start3A_125] : memref<251904x128xf32, #tpu.memory_space<hbm>> -> memref<251904x128xf32, #tpu.memory_space<hbm>>
    tpu.enqueue_indirect_dma source(%dma_start3A_126 : memref<251904x128xf32, #tpu.memory_space<hbm>>) target(%arg10 : memref<128x128xf32, #tpu.memory_space<vmem>>) offsets(%dma_start3A_123 : memref<128xi32, #tpu.memory_space<vmem>>) semaphore(%arg12 : memref<!tpu.dma_semaphore, #tpu.memory_space<semaphore_mem>>)
    %dma_start3A_127 = arith.constant 3 : i32
    %dma_start3A_128 = arith.constant 0 : i32
    %dma_start3A_129 = tpu.memref_slice %arg9[%dma_start3A_127, %dma_start3A_128] : memref<4x128xi32, #tpu.memory_space<vmem>> -> memref<1x128xi32, #tpu.memory_space<vmem>>
    %dma_start3A_130 = tpu.memref_squeeze %dma_start3A_129 : memref<1x128xi32, #tpu.memory_space<vmem>> -> memref<128xi32, #tpu.memory_space<vmem>>
    %dma_start3A_131 = arith.constant 0 : i32
    %dma_start3A_132 = arith.constant 0 : i32
    %dma_start3A_133 = tpu.memref_slice %arg3[%dma_start3A_131, %dma_start3A_132] : memref<251904x128xf32, #tpu.memory_space<hbm>> -> memref<251904x128xf32, #tpu.memory_space<hbm>>
    tpu.enqueue_indirect_dma source(%dma_start3A_133 : memref<251904x128xf32, #tpu.memory_space<hbm>>) target(%arg11 : memref<128x128xf32, #tpu.memory_space<vmem>>) offsets(%dma_start3A_130 : memref<128xi32, #tpu.memory_space<vmem>>) semaphore(%arg13 : memref<!tpu.dma_semaphore, #tpu.memory_space<semaphore_mem>>)
    %dma_wait3A_134 = arith.constant 3 : i32
    %dma_wait3A_135 = arith.constant 0 : i32
    %dma_wait3A_136 = tpu.memref_slice %arg8[%dma_wait3A_134, %dma_wait3A_135] : memref<4x128xi32, #tpu.memory_space<vmem>> -> memref<1x128xi32, #tpu.memory_space<vmem>>
    %dma_wait3A_137 = tpu.memref_squeeze %dma_wait3A_136 : memref<1x128xi32, #tpu.memory_space<vmem>> -> memref<128xi32, #tpu.memory_space<vmem>>
    %dma_wait3A_138 = arith.constant 0 : i32
    %dma_wait3A_139 = arith.constant 0 : i32
    %dma_wait3A_140 = tpu.memref_slice %arg2[%dma_wait3A_138, %dma_wait3A_139] : memref<251904x128xf32, #tpu.memory_space<hbm>> -> memref<251904x128xf32, #tpu.memory_space<hbm>>
    tpu.wait_indirect_dma semaphore(%arg12 : memref<!tpu.dma_semaphore, #tpu.memory_space<semaphore_mem>>) src(%dma_wait3A_140 : memref<251904x128xf32, #tpu.memory_space<hbm>>) dst(%arg10 : memref<128x128xf32, #tpu.memory_space<vmem>>)
    %dma_wait3A_141 = arith.constant 3 : i32
    %dma_wait3A_142 = arith.constant 0 : i32
    %dma_wait3A_143 = tpu.memref_slice %arg9[%dma_wait3A_141, %dma_wait3A_142] : memref<4x128xi32, #tpu.memory_space<vmem>> -> memref<1x128xi32, #tpu.memory_space<vmem>>
    %dma_wait3A_144 = tpu.memref_squeeze %dma_wait3A_143 : memref<1x128xi32, #tpu.memory_space<vmem>> -> memref<128xi32, #tpu.memory_space<vmem>>
    %dma_wait3A_145 = arith.constant 0 : i32
    %dma_wait3A_146 = arith.constant 0 : i32
    %dma_wait3A_147 = tpu.memref_slice %arg3[%dma_wait3A_145, %dma_wait3A_146] : memref<251904x128xf32, #tpu.memory_space<hbm>> -> memref<251904x128xf32, #tpu.memory_space<hbm>>
    tpu.wait_indirect_dma semaphore(%arg13 : memref<!tpu.dma_semaphore, #tpu.memory_space<semaphore_mem>>) src(%dma_wait3A_147 : memref<251904x128xf32, #tpu.memory_space<hbm>>) dst(%arg11 : memref<128x128xf32, #tpu.memory_space<vmem>>)
    %add3A_148 = arith.constant 384 : i32
    %add3A_149 = arith.addi %mul3A_2, %add3A_148 : i32
    "tpu.region"() ({
      %run_scoped3A_152 = tpu.sem_alloc : memref<!tpu.dma_semaphore, #tpu.memory_space<semaphore_mem>>
      %dma_start3A_153 = arith.constant 0 : i32
      %dma_start3A_154 = tpu.memref_slice %arg6[%add3A_149, %dma_start3A_153] : memref<16384x128xf32, #tpu.memory_space<hbm>> -> memref<128x128xf32, #tpu.memory_space<hbm>>
      %dma_start3A_155 = arith.constant 0 : i32
      %dma_start3A_156 = tpu.memref_slice %arg6[%add3A_149, %dma_start3A_155] : memref<16384x128xf32, #tpu.memory_space<hbm>> -> memref<128x128xf32, #tpu.memory_space<hbm>>
      tpu.enqueue_dma source(%arg10 : memref<128x128xf32, #tpu.memory_space<vmem>>) target(%dma_start3A_156 : memref<128x128xf32, #tpu.memory_space<hbm>>) target_semaphore(%run_scoped3A_152 : memref<!tpu.dma_semaphore, #tpu.memory_space<semaphore_mem>>)
      %dma_wait3A_157 = arith.constant 0 : i32
      %dma_wait3A_158 = tpu.memref_slice %arg6[%add3A_149, %dma_wait3A_157] : memref<16384x128xf32, #tpu.memory_space<hbm>> -> memref<128x128xf32, #tpu.memory_space<hbm>>
      %dma_wait3A_159 = arith.constant 0 : i32
      %dma_wait3A_160 = tpu.memref_slice %arg6[%add3A_149, %dma_wait3A_159] : memref<16384x128xf32, #tpu.memory_space<hbm>> -> memref<128x128xf32, #tpu.memory_space<hbm>>
      tpu.wait_dma2 semaphore(%run_scoped3A_152 : memref<!tpu.dma_semaphore, #tpu.memory_space<semaphore_mem>>) src(%arg10 : memref<128x128xf32, #tpu.memory_space<vmem>>) dst(%dma_wait3A_160 : memref<128x128xf32, #tpu.memory_space<hbm>>)
      tpu.yield
    }) : () -> ()
    %add3A_150 = arith.constant 384 : i32
    %add3A_151 = arith.addi %mul3A_2, %add3A_150 : i32
    "tpu.region"() ({
      %run_scoped3A_152 = tpu.sem_alloc : memref<!tpu.dma_semaphore, #tpu.memory_space<semaphore_mem>>
      %dma_start3A_153 = arith.constant 0 : i32
      %dma_start3A_154 = tpu.memref_slice %arg7[%add3A_151, %dma_start3A_153] : memref<16384x128xf32, #tpu.memory_space<hbm>> -> memref<128x128xf32, #tpu.memory_space<hbm>>
      %dma_start3A_155 = arith.constant 0 : i32
      %dma_start3A_156 = tpu.memref_slice %arg7[%add3A_151, %dma_start3A_155] : memref<16384x128xf32, #tpu.memory_space<hbm>> -> memref<128x128xf32, #tpu.memory_space<hbm>>
      tpu.enqueue_dma source(%arg11 : memref<128x128xf32, #tpu.memory_space<vmem>>) target(%dma_start3A_156 : memref<128x128xf32, #tpu.memory_space<hbm>>) target_semaphore(%run_scoped3A_152 : memref<!tpu.dma_semaphore, #tpu.memory_space<semaphore_mem>>)
      %dma_wait3A_157 = arith.constant 0 : i32
      %dma_wait3A_158 = tpu.memref_slice %arg7[%add3A_151, %dma_wait3A_157] : memref<16384x128xf32, #tpu.memory_space<hbm>> -> memref<128x128xf32, #tpu.memory_space<hbm>>
      %dma_wait3A_159 = arith.constant 0 : i32
      %dma_wait3A_160 = tpu.memref_slice %arg7[%add3A_151, %dma_wait3A_159] : memref<16384x128xf32, #tpu.memory_space<hbm>> -> memref<128x128xf32, #tpu.memory_space<hbm>>
      tpu.wait_dma2 semaphore(%run_scoped3A_152 : memref<!tpu.dma_semaphore, #tpu.memory_space<semaphore_mem>>) src(%arg11 : memref<128x128xf32, #tpu.memory_space<vmem>>) dst(%dma_wait3A_160 : memref<128x128xf32, #tpu.memory_space<hbm>>)
      tpu.yield
    }) : () -> ()
    return
  }
}

module attributes {stable_mosaic.version = 14 : i64} {
  func.func @body(%arg0: i32, %arg1: memref<32x8192xf32, #tpu.memory_space<vmem>>, %arg2: memref<2048x128xf32, #tpu.memory_space<vmem>>) attributes {dimension_semantics = [#tpu.dimension_semantics<parallel>], iteration_bounds = array<i64: 123>, scalar_prefetch = 0 : i64, scratch_operands = 0 : i64, tpu.core_type = #tpu.core_type<tc>, window_params = [{transform_indices = @transform_0, window_bounds = array<i64: 32, 8192>}, {transform_indices = @transform_1, window_bounds = array<i64: 2048, 128>}]} {
    %get3A = arith.constant 0 : index
    %get3A_0 = arith.constant 0 : index
    %get3A_1 = vector.load %arg1[%get3A, %get3A_0] : memref<32x8192xf32, #tpu.memory_space<vmem>>, vector<32x8192xf32>
    %slice3A = vector.extract_strided_slice %get3A_1 {offsets = [0, 0], sizes = [32, 128], strides = [1, 1]} : vector<32x8192xf32> to vector<32x128xf32>
    %transpose3A = tpu.transpose %slice3A, [1, 0] : vector<32x128xf32> -> vector<128x32xf32>
    %slice3A_2 = vector.extract_strided_slice %get3A_1 {offsets = [0, 128], sizes = [32, 128], strides = [1, 1]} : vector<32x8192xf32> to vector<32x128xf32>
    %transpose3A_3 = tpu.transpose %slice3A_2, [1, 0] : vector<32x128xf32> -> vector<128x32xf32>
    %slice3A_4 = vector.extract_strided_slice %get3A_1 {offsets = [0, 256], sizes = [32, 128], strides = [1, 1]} : vector<32x8192xf32> to vector<32x128xf32>
    %transpose3A_5 = tpu.transpose %slice3A_4, [1, 0] : vector<32x128xf32> -> vector<128x32xf32>
    %slice3A_6 = vector.extract_strided_slice %get3A_1 {offsets = [0, 384], sizes = [32, 128], strides = [1, 1]} : vector<32x8192xf32> to vector<32x128xf32>
    %transpose3A_7 = tpu.transpose %slice3A_6, [1, 0] : vector<32x128xf32> -> vector<128x32xf32>
    %concatenate3A = tpu.concatenate %transpose3A, %transpose3A_3, %transpose3A_5, %transpose3A_7 in 1 : vector<128x32xf32>, vector<128x32xf32>, vector<128x32xf32>, vector<128x32xf32> -> vector<128x128xf32>
    %swap3A = arith.constant 0 : index
    %swap3A_8 = arith.constant 0 : index
    %swap3A_9 = vector.load %arg2[%swap3A, %swap3A_8] : memref<2048x128xf32, #tpu.memory_space<vmem>>, vector<128x128xf32>
    tpu.vector_store %arg2[%swap3A, %swap3A_8], %concatenate3A {strides = array<i32>} : memref<2048x128xf32, #tpu.memory_space<vmem>>, vector<128x128xf32>,
    %slice3A_10 = vector.extract_strided_slice %get3A_1 {offsets = [0, 512], sizes = [32, 128], strides = [1, 1]} : vector<32x8192xf32> to vector<32x128xf32>
    %transpose3A_11 = tpu.transpose %slice3A_10, [1, 0] : vector<32x128xf32> -> vector<128x32xf32>
    %slice3A_12 = vector.extract_strided_slice %get3A_1 {offsets = [0, 640], sizes = [32, 128], strides = [1, 1]} : vector<32x8192xf32> to vector<32x128xf32>
    %transpose3A_13 = tpu.transpose %slice3A_12, [1, 0] : vector<32x128xf32> -> vector<128x32xf32>
    %slice3A_14 = vector.extract_strided_slice %get3A_1 {offsets = [0, 768], sizes = [32, 128], strides = [1, 1]} : vector<32x8192xf32> to vector<32x128xf32>
    %transpose3A_15 = tpu.transpose %slice3A_14, [1, 0] : vector<32x128xf32> -> vector<128x32xf32>
    %slice3A_16 = vector.extract_strided_slice %get3A_1 {offsets = [0, 896], sizes = [32, 128], strides = [1, 1]} : vector<32x8192xf32> to vector<32x128xf32>
    %transpose3A_17 = tpu.transpose %slice3A_16, [1, 0] : vector<32x128xf32> -> vector<128x32xf32>
    %concatenate3A_18 = tpu.concatenate %transpose3A_11, %transpose3A_13, %transpose3A_15, %transpose3A_17 in 1 : vector<128x32xf32>, vector<128x32xf32>, vector<128x32xf32>, vector<128x32xf32> -> vector<128x128xf32>
    %swap3A_19 = arith.constant 128 : index
    %swap3A_20 = arith.constant 0 : index
    %swap3A_21 = vector.load %arg2[%swap3A_19, %swap3A_20] : memref<2048x128xf32, #tpu.memory_space<vmem>>, vector<128x128xf32>
    tpu.vector_store %arg2[%swap3A_19, %swap3A_20], %concatenate3A_18 {strides = array<i32>} : memref<2048x128xf32, #tpu.memory_space<vmem>>, vector<128x128xf32>,
    %slice3A_22 = vector.extract_strided_slice %get3A_1 {offsets = [0, 1024], sizes = [32, 128], strides = [1, 1]} : vector<32x8192xf32> to vector<32x128xf32>
    %transpose3A_23 = tpu.transpose %slice3A_22, [1, 0] : vector<32x128xf32> -> vector<128x32xf32>
    %slice3A_24 = vector.extract_strided_slice %get3A_1 {offsets = [0, 1152], sizes = [32, 128], strides = [1, 1]} : vector<32x8192xf32> to vector<32x128xf32>
    %transpose3A_25 = tpu.transpose %slice3A_24, [1, 0] : vector<32x128xf32> -> vector<128x32xf32>
    %slice3A_26 = vector.extract_strided_slice %get3A_1 {offsets = [0, 1280], sizes = [32, 128], strides = [1, 1]} : vector<32x8192xf32> to vector<32x128xf32>
    %transpose3A_27 = tpu.transpose %slice3A_26, [1, 0] : vector<32x128xf32> -> vector<128x32xf32>
    %slice3A_28 = vector.extract_strided_slice %get3A_1 {offsets = [0, 1408], sizes = [32, 128], strides = [1, 1]} : vector<32x8192xf32> to vector<32x128xf32>
    %transpose3A_29 = tpu.transpose %slice3A_28, [1, 0] : vector<32x128xf32> -> vector<128x32xf32>
    %concatenate3A_30 = tpu.concatenate %transpose3A_23, %transpose3A_25, %transpose3A_27, %transpose3A_29 in 1 : vector<128x32xf32>, vector<128x32xf32>, vector<128x32xf32>, vector<128x32xf32> -> vector<128x128xf32>
    %swap3A_31 = arith.constant 256 : index
    %swap3A_32 = arith.constant 0 : index
    %swap3A_33 = vector.load %arg2[%swap3A_31, %swap3A_32] : memref<2048x128xf32, #tpu.memory_space<vmem>>, vector<128x128xf32>
    tpu.vector_store %arg2[%swap3A_31, %swap3A_32], %concatenate3A_30 {strides = array<i32>} : memref<2048x128xf32, #tpu.memory_space<vmem>>, vector<128x128xf32>,
    %slice3A_34 = vector.extract_strided_slice %get3A_1 {offsets = [0, 1536], sizes = [32, 128], strides = [1, 1]} : vector<32x8192xf32> to vector<32x128xf32>
    %transpose3A_35 = tpu.transpose %slice3A_34, [1, 0] : vector<32x128xf32> -> vector<128x32xf32>
    %slice3A_36 = vector.extract_strided_slice %get3A_1 {offsets = [0, 1664], sizes = [32, 128], strides = [1, 1]} : vector<32x8192xf32> to vector<32x128xf32>
    %transpose3A_37 = tpu.transpose %slice3A_36, [1, 0] : vector<32x128xf32> -> vector<128x32xf32>
    %slice3A_38 = vector.extract_strided_slice %get3A_1 {offsets = [0, 1792], sizes = [32, 128], strides = [1, 1]} : vector<32x8192xf32> to vector<32x128xf32>
    %transpose3A_39 = tpu.transpose %slice3A_38, [1, 0] : vector<32x128xf32> -> vector<128x32xf32>
    %slice3A_40 = vector.extract_strided_slice %get3A_1 {offsets = [0, 1920], sizes = [32, 128], strides = [1, 1]} : vector<32x8192xf32> to vector<32x128xf32>
    %transpose3A_41 = tpu.transpose %slice3A_40, [1, 0] : vector<32x128xf32> -> vector<128x32xf32>
    %concatenate3A_42 = tpu.concatenate %transpose3A_35, %transpose3A_37, %transpose3A_39, %transpose3A_41 in 1 : vector<128x32xf32>, vector<128x32xf32>, vector<128x32xf32>, vector<128x32xf32> -> vector<128x128xf32>
    %swap3A_43 = arith.constant 384 : index
    %swap3A_44 = arith.constant 0 : index
    %swap3A_45 = vector.load %arg2[%swap3A_43, %swap3A_44] : memref<2048x128xf32, #tpu.memory_space<vmem>>, vector<128x128xf32>
    tpu.vector_store %arg2[%swap3A_43, %swap3A_44], %concatenate3A_42 {strides = array<i32>} : memref<2048x128xf32, #tpu.memory_space<vmem>>, vector<128x128xf32>,
    %slice3A_46 = vector.extract_strided_slice %get3A_1 {offsets = [0, 2048], sizes = [32, 128], strides = [1, 1]} : vector<32x8192xf32> to vector<32x128xf32>
    %transpose3A_47 = tpu.transpose %slice3A_46, [1, 0] : vector<32x128xf32> -> vector<128x32xf32>
    %slice3A_48 = vector.extract_strided_slice %get3A_1 {offsets = [0, 2176], sizes = [32, 128], strides = [1, 1]} : vector<32x8192xf32> to vector<32x128xf32>
    %transpose3A_49 = tpu.transpose %slice3A_48, [1, 0] : vector<32x128xf32> -> vector<128x32xf32>
    %slice3A_50 = vector.extract_strided_slice %get3A_1 {offsets = [0, 2304], sizes = [32, 128], strides = [1, 1]} : vector<32x8192xf32> to vector<32x128xf32>
    %transpose3A_51 = tpu.transpose %slice3A_50, [1, 0] : vector<32x128xf32> -> vector<128x32xf32>
    %slice3A_52 = vector.extract_strided_slice %get3A_1 {offsets = [0, 2432], sizes = [32, 128], strides = [1, 1]} : vector<32x8192xf32> to vector<32x128xf32>
    %transpose3A_53 = tpu.transpose %slice3A_52, [1, 0] : vector<32x128xf32> -> vector<128x32xf32>
    %concatenate3A_54 = tpu.concatenate %transpose3A_47, %transpose3A_49, %transpose3A_51, %transpose3A_53 in 1 : vector<128x32xf32>, vector<128x32xf32>, vector<128x32xf32>, vector<128x32xf32> -> vector<128x128xf32>
    %swap3A_55 = arith.constant 512 : index
    %swap3A_56 = arith.constant 0 : index
    %swap3A_57 = vector.load %arg2[%swap3A_55, %swap3A_56] : memref<2048x128xf32, #tpu.memory_space<vmem>>, vector<128x128xf32>
    tpu.vector_store %arg2[%swap3A_55, %swap3A_56], %concatenate3A_54 {strides = array<i32>} : memref<2048x128xf32, #tpu.memory_space<vmem>>, vector<128x128xf32>,
    %slice3A_58 = vector.extract_strided_slice %get3A_1 {offsets = [0, 2560], sizes = [32, 128], strides = [1, 1]} : vector<32x8192xf32> to vector<32x128xf32>
    %transpose3A_59 = tpu.transpose %slice3A_58, [1, 0] : vector<32x128xf32> -> vector<128x32xf32>
    %slice3A_60 = vector.extract_strided_slice %get3A_1 {offsets = [0, 2688], sizes = [32, 128], strides = [1, 1]} : vector<32x8192xf32> to vector<32x128xf32>
    %transpose3A_61 = tpu.transpose %slice3A_60, [1, 0] : vector<32x128xf32> -> vector<128x32xf32>
    %slice3A_62 = vector.extract_strided_slice %get3A_1 {offsets = [0, 2816], sizes = [32, 128], strides = [1, 1]} : vector<32x8192xf32> to vector<32x128xf32>
    %transpose3A_63 = tpu.transpose %slice3A_62, [1, 0] : vector<32x128xf32> -> vector<128x32xf32>
    %slice3A_64 = vector.extract_strided_slice %get3A_1 {offsets = [0, 2944], sizes = [32, 128], strides = [1, 1]} : vector<32x8192xf32> to vector<32x128xf32>
    %transpose3A_65 = tpu.transpose %slice3A_64, [1, 0] : vector<32x128xf32> -> vector<128x32xf32>
    %concatenate3A_66 = tpu.concatenate %transpose3A_59, %transpose3A_61, %transpose3A_63, %transpose3A_65 in 1 : vector<128x32xf32>, vector<128x32xf32>, vector<128x32xf32>, vector<128x32xf32> -> vector<128x128xf32>
    %swap3A_67 = arith.constant 640 : index
    %swap3A_68 = arith.constant 0 : index
    %swap3A_69 = vector.load %arg2[%swap3A_67, %swap3A_68] : memref<2048x128xf32, #tpu.memory_space<vmem>>, vector<128x128xf32>
    tpu.vector_store %arg2[%swap3A_67, %swap3A_68], %concatenate3A_66 {strides = array<i32>} : memref<2048x128xf32, #tpu.memory_space<vmem>>, vector<128x128xf32>,
    %slice3A_70 = vector.extract_strided_slice %get3A_1 {offsets = [0, 3072], sizes = [32, 128], strides = [1, 1]} : vector<32x8192xf32> to vector<32x128xf32>
    %transpose3A_71 = tpu.transpose %slice3A_70, [1, 0] : vector<32x128xf32> -> vector<128x32xf32>
    %slice3A_72 = vector.extract_strided_slice %get3A_1 {offsets = [0, 3200], sizes = [32, 128], strides = [1, 1]} : vector<32x8192xf32> to vector<32x128xf32>
    %transpose3A_73 = tpu.transpose %slice3A_72, [1, 0] : vector<32x128xf32> -> vector<128x32xf32>
    %slice3A_74 = vector.extract_strided_slice %get3A_1 {offsets = [0, 3328], sizes = [32, 128], strides = [1, 1]} : vector<32x8192xf32> to vector<32x128xf32>
    %transpose3A_75 = tpu.transpose %slice3A_74, [1, 0] : vector<32x128xf32> -> vector<128x32xf32>
    %slice3A_76 = vector.extract_strided_slice %get3A_1 {offsets = [0, 3456], sizes = [32, 128], strides = [1, 1]} : vector<32x8192xf32> to vector<32x128xf32>
    %transpose3A_77 = tpu.transpose %slice3A_76, [1, 0] : vector<32x128xf32> -> vector<128x32xf32>
    %concatenate3A_78 = tpu.concatenate %transpose3A_71, %transpose3A_73, %transpose3A_75, %transpose3A_77 in 1 : vector<128x32xf32>, vector<128x32xf32>, vector<128x32xf32>, vector<128x32xf32> -> vector<128x128xf32>
    %swap3A_79 = arith.constant 768 : index
    %swap3A_80 = arith.constant 0 : index
    %swap3A_81 = vector.load %arg2[%swap3A_79, %swap3A_80] : memref<2048x128xf32, #tpu.memory_space<vmem>>, vector<128x128xf32>
    tpu.vector_store %arg2[%swap3A_79, %swap3A_80], %concatenate3A_78 {strides = array<i32>} : memref<2048x128xf32, #tpu.memory_space<vmem>>, vector<128x128xf32>,
    %slice3A_82 = vector.extract_strided_slice %get3A_1 {offsets = [0, 3584], sizes = [32, 128], strides = [1, 1]} : vector<32x8192xf32> to vector<32x128xf32>
    %transpose3A_83 = tpu.transpose %slice3A_82, [1, 0] : vector<32x128xf32> -> vector<128x32xf32>
    %slice3A_84 = vector.extract_strided_slice %get3A_1 {offsets = [0, 3712], sizes = [32, 128], strides = [1, 1]} : vector<32x8192xf32> to vector<32x128xf32>
    %transpose3A_85 = tpu.transpose %slice3A_84, [1, 0] : vector<32x128xf32> -> vector<128x32xf32>
    %slice3A_86 = vector.extract_strided_slice %get3A_1 {offsets = [0, 3840], sizes = [32, 128], strides = [1, 1]} : vector<32x8192xf32> to vector<32x128xf32>
    %transpose3A_87 = tpu.transpose %slice3A_86, [1, 0] : vector<32x128xf32> -> vector<128x32xf32>
    %slice3A_88 = vector.extract_strided_slice %get3A_1 {offsets = [0, 3968], sizes = [32, 128], strides = [1, 1]} : vector<32x8192xf32> to vector<32x128xf32>
    %transpose3A_89 = tpu.transpose %slice3A_88, [1, 0] : vector<32x128xf32> -> vector<128x32xf32>
    %concatenate3A_90 = tpu.concatenate %transpose3A_83, %transpose3A_85, %transpose3A_87, %transpose3A_89 in 1 : vector<128x32xf32>, vector<128x32xf32>, vector<128x32xf32>, vector<128x32xf32> -> vector<128x128xf32>
    %swap3A_91 = arith.constant 896 : index
    %swap3A_92 = arith.constant 0 : index
    %swap3A_93 = vector.load %arg2[%swap3A_91, %swap3A_92] : memref<2048x128xf32, #tpu.memory_space<vmem>>, vector<128x128xf32>
    tpu.vector_store %arg2[%swap3A_91, %swap3A_92], %concatenate3A_90 {strides = array<i32>} : memref<2048x128xf32, #tpu.memory_space<vmem>>, vector<128x128xf32>,
    %slice3A_94 = vector.extract_strided_slice %get3A_1 {offsets = [0, 4096], sizes = [32, 128], strides = [1, 1]} : vector<32x8192xf32> to vector<32x128xf32>
    %transpose3A_95 = tpu.transpose %slice3A_94, [1, 0] : vector<32x128xf32> -> vector<128x32xf32>
    %slice3A_96 = vector.extract_strided_slice %get3A_1 {offsets = [0, 4224], sizes = [32, 128], strides = [1, 1]} : vector<32x8192xf32> to vector<32x128xf32>
    %transpose3A_97 = tpu.transpose %slice3A_96, [1, 0] : vector<32x128xf32> -> vector<128x32xf32>
    %slice3A_98 = vector.extract_strided_slice %get3A_1 {offsets = [0, 4352], sizes = [32, 128], strides = [1, 1]} : vector<32x8192xf32> to vector<32x128xf32>
    %transpose3A_99 = tpu.transpose %slice3A_98, [1, 0] : vector<32x128xf32> -> vector<128x32xf32>
    %slice3A_100 = vector.extract_strided_slice %get3A_1 {offsets = [0, 4480], sizes = [32, 128], strides = [1, 1]} : vector<32x8192xf32> to vector<32x128xf32>
    %transpose3A_101 = tpu.transpose %slice3A_100, [1, 0] : vector<32x128xf32> -> vector<128x32xf32>
    %concatenate3A_102 = tpu.concatenate %transpose3A_95, %transpose3A_97, %transpose3A_99, %transpose3A_101 in 1 : vector<128x32xf32>, vector<128x32xf32>, vector<128x32xf32>, vector<128x32xf32> -> vector<128x128xf32>
    %swap3A_103 = arith.constant 1024 : index
    %swap3A_104 = arith.constant 0 : index
    %swap3A_105 = vector.load %arg2[%swap3A_103, %swap3A_104] : memref<2048x128xf32, #tpu.memory_space<vmem>>, vector<128x128xf32>
    tpu.vector_store %arg2[%swap3A_103, %swap3A_104], %concatenate3A_102 {strides = array<i32>} : memref<2048x128xf32, #tpu.memory_space<vmem>>, vector<128x128xf32>,
    %slice3A_106 = vector.extract_strided_slice %get3A_1 {offsets = [0, 4608], sizes = [32, 128], strides = [1, 1]} : vector<32x8192xf32> to vector<32x128xf32>
    %transpose3A_107 = tpu.transpose %slice3A_106, [1, 0] : vector<32x128xf32> -> vector<128x32xf32>
    %slice3A_108 = vector.extract_strided_slice %get3A_1 {offsets = [0, 4736], sizes = [32, 128], strides = [1, 1]} : vector<32x8192xf32> to vector<32x128xf32>
    %transpose3A_109 = tpu.transpose %slice3A_108, [1, 0] : vector<32x128xf32> -> vector<128x32xf32>
    %slice3A_110 = vector.extract_strided_slice %get3A_1 {offsets = [0, 4864], sizes = [32, 128], strides = [1, 1]} : vector<32x8192xf32> to vector<32x128xf32>
    %transpose3A_111 = tpu.transpose %slice3A_110, [1, 0] : vector<32x128xf32> -> vector<128x32xf32>
    %slice3A_112 = vector.extract_strided_slice %get3A_1 {offsets = [0, 4992], sizes = [32, 128], strides = [1, 1]} : vector<32x8192xf32> to vector<32x128xf32>
    %transpose3A_113 = tpu.transpose %slice3A_112, [1, 0] : vector<32x128xf32> -> vector<128x32xf32>
    %concatenate3A_114 = tpu.concatenate %transpose3A_107, %transpose3A_109, %transpose3A_111, %transpose3A_113 in 1 : vector<128x32xf32>, vector<128x32xf32>, vector<128x32xf32>, vector<128x32xf32> -> vector<128x128xf32>
    %swap3A_115 = arith.constant 1152 : index
    %swap3A_116 = arith.constant 0 : index
    %swap3A_117 = vector.load %arg2[%swap3A_115, %swap3A_116] : memref<2048x128xf32, #tpu.memory_space<vmem>>, vector<128x128xf32>
    tpu.vector_store %arg2[%swap3A_115, %swap3A_116], %concatenate3A_114 {strides = array<i32>} : memref<2048x128xf32, #tpu.memory_space<vmem>>, vector<128x128xf32>,
    %slice3A_118 = vector.extract_strided_slice %get3A_1 {offsets = [0, 5120], sizes = [32, 128], strides = [1, 1]} : vector<32x8192xf32> to vector<32x128xf32>
    %transpose3A_119 = tpu.transpose %slice3A_118, [1, 0] : vector<32x128xf32> -> vector<128x32xf32>
    %slice3A_120 = vector.extract_strided_slice %get3A_1 {offsets = [0, 5248], sizes = [32, 128], strides = [1, 1]} : vector<32x8192xf32> to vector<32x128xf32>
    %transpose3A_121 = tpu.transpose %slice3A_120, [1, 0] : vector<32x128xf32> -> vector<128x32xf32>
    %slice3A_122 = vector.extract_strided_slice %get3A_1 {offsets = [0, 5376], sizes = [32, 128], strides = [1, 1]} : vector<32x8192xf32> to vector<32x128xf32>
    %transpose3A_123 = tpu.transpose %slice3A_122, [1, 0] : vector<32x128xf32> -> vector<128x32xf32>
    %slice3A_124 = vector.extract_strided_slice %get3A_1 {offsets = [0, 5504], sizes = [32, 128], strides = [1, 1]} : vector<32x8192xf32> to vector<32x128xf32>
    %transpose3A_125 = tpu.transpose %slice3A_124, [1, 0] : vector<32x128xf32> -> vector<128x32xf32>
    %concatenate3A_126 = tpu.concatenate %transpose3A_119, %transpose3A_121, %transpose3A_123, %transpose3A_125 in 1 : vector<128x32xf32>, vector<128x32xf32>, vector<128x32xf32>, vector<128x32xf32> -> vector<128x128xf32>
    %swap3A_127 = arith.constant 1280 : index
    %swap3A_128 = arith.constant 0 : index
    %swap3A_129 = vector.load %arg2[%swap3A_127, %swap3A_128] : memref<2048x128xf32, #tpu.memory_space<vmem>>, vector<128x128xf32>
    tpu.vector_store %arg2[%swap3A_127, %swap3A_128], %concatenate3A_126 {strides = array<i32>} : memref<2048x128xf32, #tpu.memory_space<vmem>>, vector<128x128xf32>,
    %slice3A_130 = vector.extract_strided_slice %get3A_1 {offsets = [0, 5632], sizes = [32, 128], strides = [1, 1]} : vector<32x8192xf32> to vector<32x128xf32>
    %transpose3A_131 = tpu.transpose %slice3A_130, [1, 0] : vector<32x128xf32> -> vector<128x32xf32>
    %slice3A_132 = vector.extract_strided_slice %get3A_1 {offsets = [0, 5760], sizes = [32, 128], strides = [1, 1]} : vector<32x8192xf32> to vector<32x128xf32>
    %transpose3A_133 = tpu.transpose %slice3A_132, [1, 0] : vector<32x128xf32> -> vector<128x32xf32>
    %slice3A_134 = vector.extract_strided_slice %get3A_1 {offsets = [0, 5888], sizes = [32, 128], strides = [1, 1]} : vector<32x8192xf32> to vector<32x128xf32>
    %transpose3A_135 = tpu.transpose %slice3A_134, [1, 0] : vector<32x128xf32> -> vector<128x32xf32>
    %slice3A_136 = vector.extract_strided_slice %get3A_1 {offsets = [0, 6016], sizes = [32, 128], strides = [1, 1]} : vector<32x8192xf32> to vector<32x128xf32>
    %transpose3A_137 = tpu.transpose %slice3A_136, [1, 0] : vector<32x128xf32> -> vector<128x32xf32>
    %concatenate3A_138 = tpu.concatenate %transpose3A_131, %transpose3A_133, %transpose3A_135, %transpose3A_137 in 1 : vector<128x32xf32>, vector<128x32xf32>, vector<128x32xf32>, vector<128x32xf32> -> vector<128x128xf32>
    %swap3A_139 = arith.constant 1408 : index
    %swap3A_140 = arith.constant 0 : index
    %swap3A_141 = vector.load %arg2[%swap3A_139, %swap3A_140] : memref<2048x128xf32, #tpu.memory_space<vmem>>, vector<128x128xf32>
    tpu.vector_store %arg2[%swap3A_139, %swap3A_140], %concatenate3A_138 {strides = array<i32>} : memref<2048x128xf32, #tpu.memory_space<vmem>>, vector<128x128xf32>,
    %slice3A_142 = vector.extract_strided_slice %get3A_1 {offsets = [0, 6144], sizes = [32, 128], strides = [1, 1]} : vector<32x8192xf32> to vector<32x128xf32>
    %transpose3A_143 = tpu.transpose %slice3A_142, [1, 0] : vector<32x128xf32> -> vector<128x32xf32>
    %slice3A_144 = vector.extract_strided_slice %get3A_1 {offsets = [0, 6272], sizes = [32, 128], strides = [1, 1]} : vector<32x8192xf32> to vector<32x128xf32>
    %transpose3A_145 = tpu.transpose %slice3A_144, [1, 0] : vector<32x128xf32> -> vector<128x32xf32>
    %slice3A_146 = vector.extract_strided_slice %get3A_1 {offsets = [0, 6400], sizes = [32, 128], strides = [1, 1]} : vector<32x8192xf32> to vector<32x128xf32>
    %transpose3A_147 = tpu.transpose %slice3A_146, [1, 0] : vector<32x128xf32> -> vector<128x32xf32>
    %slice3A_148 = vector.extract_strided_slice %get3A_1 {offsets = [0, 6528], sizes = [32, 128], strides = [1, 1]} : vector<32x8192xf32> to vector<32x128xf32>
    %transpose3A_149 = tpu.transpose %slice3A_148, [1, 0] : vector<32x128xf32> -> vector<128x32xf32>
    %concatenate3A_150 = tpu.concatenate %transpose3A_143, %transpose3A_145, %transpose3A_147, %transpose3A_149 in 1 : vector<128x32xf32>, vector<128x32xf32>, vector<128x32xf32>, vector<128x32xf32> -> vector<128x128xf32>
    %swap3A_151 = arith.constant 1536 : index
    %swap3A_152 = arith.constant 0 : index
    %swap3A_153 = vector.load %arg2[%swap3A_151, %swap3A_152] : memref<2048x128xf32, #tpu.memory_space<vmem>>, vector<128x128xf32>
    tpu.vector_store %arg2[%swap3A_151, %swap3A_152], %concatenate3A_150 {strides = array<i32>} : memref<2048x128xf32, #tpu.memory_space<vmem>>, vector<128x128xf32>,
    %slice3A_154 = vector.extract_strided_slice %get3A_1 {offsets = [0, 6656], sizes = [32, 128], strides = [1, 1]} : vector<32x8192xf32> to vector<32x128xf32>
    %transpose3A_155 = tpu.transpose %slice3A_154, [1, 0] : vector<32x128xf32> -> vector<128x32xf32>
    %slice3A_156 = vector.extract_strided_slice %get3A_1 {offsets = [0, 6784], sizes = [32, 128], strides = [1, 1]} : vector<32x8192xf32> to vector<32x128xf32>
    %transpose3A_157 = tpu.transpose %slice3A_156, [1, 0] : vector<32x128xf32> -> vector<128x32xf32>
    %slice3A_158 = vector.extract_strided_slice %get3A_1 {offsets = [0, 6912], sizes = [32, 128], strides = [1, 1]} : vector<32x8192xf32> to vector<32x128xf32>
    %transpose3A_159 = tpu.transpose %slice3A_158, [1, 0] : vector<32x128xf32> -> vector<128x32xf32>
    %slice3A_160 = vector.extract_strided_slice %get3A_1 {offsets = [0, 7040], sizes = [32, 128], strides = [1, 1]} : vector<32x8192xf32> to vector<32x128xf32>
    %transpose3A_161 = tpu.transpose %slice3A_160, [1, 0] : vector<32x128xf32> -> vector<128x32xf32>
    %concatenate3A_162 = tpu.concatenate %transpose3A_155, %transpose3A_157, %transpose3A_159, %transpose3A_161 in 1 : vector<128x32xf32>, vector<128x32xf32>, vector<128x32xf32>, vector<128x32xf32> -> vector<128x128xf32>
    %swap3A_163 = arith.constant 1664 : index
    %swap3A_164 = arith.constant 0 : index
    %swap3A_165 = vector.load %arg2[%swap3A_163, %swap3A_164] : memref<2048x128xf32, #tpu.memory_space<vmem>>, vector<128x128xf32>
    tpu.vector_store %arg2[%swap3A_163, %swap3A_164], %concatenate3A_162 {strides = array<i32>} : memref<2048x128xf32, #tpu.memory_space<vmem>>, vector<128x128xf32>,
    %slice3A_166 = vector.extract_strided_slice %get3A_1 {offsets = [0, 7168], sizes = [32, 128], strides = [1, 1]} : vector<32x8192xf32> to vector<32x128xf32>
    %transpose3A_167 = tpu.transpose %slice3A_166, [1, 0] : vector<32x128xf32> -> vector<128x32xf32>
    %slice3A_168 = vector.extract_strided_slice %get3A_1 {offsets = [0, 7296], sizes = [32, 128], strides = [1, 1]} : vector<32x8192xf32> to vector<32x128xf32>
    %transpose3A_169 = tpu.transpose %slice3A_168, [1, 0] : vector<32x128xf32> -> vector<128x32xf32>
    %slice3A_170 = vector.extract_strided_slice %get3A_1 {offsets = [0, 7424], sizes = [32, 128], strides = [1, 1]} : vector<32x8192xf32> to vector<32x128xf32>
    %transpose3A_171 = tpu.transpose %slice3A_170, [1, 0] : vector<32x128xf32> -> vector<128x32xf32>
    %slice3A_172 = vector.extract_strided_slice %get3A_1 {offsets = [0, 7552], sizes = [32, 128], strides = [1, 1]} : vector<32x8192xf32> to vector<32x128xf32>
    %transpose3A_173 = tpu.transpose %slice3A_172, [1, 0] : vector<32x128xf32> -> vector<128x32xf32>
    %concatenate3A_174 = tpu.concatenate %transpose3A_167, %transpose3A_169, %transpose3A_171, %transpose3A_173 in 1 : vector<128x32xf32>, vector<128x32xf32>, vector<128x32xf32>, vector<128x32xf32> -> vector<128x128xf32>
    %swap3A_175 = arith.constant 1792 : index
    %swap3A_176 = arith.constant 0 : index
    %swap3A_177 = vector.load %arg2[%swap3A_175, %swap3A_176] : memref<2048x128xf32, #tpu.memory_space<vmem>>, vector<128x128xf32>
    tpu.vector_store %arg2[%swap3A_175, %swap3A_176], %concatenate3A_174 {strides = array<i32>} : memref<2048x128xf32, #tpu.memory_space<vmem>>, vector<128x128xf32>,
    %slice3A_178 = vector.extract_strided_slice %get3A_1 {offsets = [0, 7680], sizes = [32, 128], strides = [1, 1]} : vector<32x8192xf32> to vector<32x128xf32>
    %transpose3A_179 = tpu.transpose %slice3A_178, [1, 0] : vector<32x128xf32> -> vector<128x32xf32>
    %slice3A_180 = vector.extract_strided_slice %get3A_1 {offsets = [0, 7808], sizes = [32, 128], strides = [1, 1]} : vector<32x8192xf32> to vector<32x128xf32>
    %transpose3A_181 = tpu.transpose %slice3A_180, [1, 0] : vector<32x128xf32> -> vector<128x32xf32>
    %slice3A_182 = vector.extract_strided_slice %get3A_1 {offsets = [0, 7936], sizes = [32, 128], strides = [1, 1]} : vector<32x8192xf32> to vector<32x128xf32>
    %transpose3A_183 = tpu.transpose %slice3A_182, [1, 0] : vector<32x128xf32> -> vector<128x32xf32>
    %slice3A_184 = vector.extract_strided_slice %get3A_1 {offsets = [0, 8064], sizes = [32, 128], strides = [1, 1]} : vector<32x8192xf32> to vector<32x128xf32>
    %transpose3A_185 = tpu.transpose %slice3A_184, [1, 0] : vector<32x128xf32> -> vector<128x32xf32>
    %concatenate3A_186 = tpu.concatenate %transpose3A_179, %transpose3A_181, %transpose3A_183, %transpose3A_185 in 1 : vector<128x32xf32>, vector<128x32xf32>, vector<128x32xf32>, vector<128x32xf32> -> vector<128x128xf32>
    %swap3A_187 = arith.constant 1920 : index
    %swap3A_188 = arith.constant 0 : index
    %swap3A_189 = vector.load %arg2[%swap3A_187, %swap3A_188] : memref<2048x128xf32, #tpu.memory_space<vmem>>, vector<128x128xf32>
    tpu.vector_store %arg2[%swap3A_187, %swap3A_188], %concatenate3A_186 {strides = array<i32>} : memref<2048x128xf32, #tpu.memory_space<vmem>>, vector<128x128xf32>,
    return
  }
  func.func @transform_0(%arg0: i32) -> (i32, i32) {
    %c0_i32 = arith.constant 0 : i32
    %c0_i32_0 = arith.constant 0 : i32
    return %c0_i32, %arg0 : i32, i32
  }
  func.func @transform_1(%arg0: i32) -> (i32, i32) {
    %c0_i32 = arith.constant 0 : i32
    %c0_i32_0 = arith.constant 0 : i32
    return %arg0, %c0_i32 : i32, i32
  }
}

module attributes {stable_mosaic.version = 14 : i64} {
  func.func @body(%arg0: i32, %arg1: memref<2048x128xf32, #tpu.memory_space<vmem>>, %arg2: memref<2048x128xf32, #tpu.memory_space<vmem>>, %arg3: memref<2048xi32, #tpu.memory_space<vmem>>, %arg4: memref<2048xi32, #tpu.memory_space<vmem>>, %arg5: memref<2048xf32, #tpu.memory_space<vmem>>, %arg6: memref<1x1xf32, #tpu.memory_space<smem>>) attributes {dimension_semantics = [#tpu.dimension_semantics<arbitrary>], iteration_bounds = array<i64: 8>, scalar_prefetch = 0 : i64, scratch_operands = 0 : i64, tpu.core_type = #tpu.core_type<tc>, window_params = [{transform_indices = @transform_0, window_bounds = array<i64: 2048, 128>}, {transform_indices = @transform_1, window_bounds = array<i64: 2048, 128>}, {transform_indices = @transform_2, window_bounds = array<i64: 2048>}, {transform_indices = @transform_3, window_bounds = array<i64: 2048>}, {transform_indices = @transform_4, window_bounds = array<i64: 2048>}, {transform_indices = @transform_5, window_bounds = array<i64: 1, 1>}]} {
    %eq3A = arith.constant 0 : i32
    %eq3A_0 = arith.cmpi eq, %arg0, %eq3A : i32
    %convert_element_type3A = arith.extui %eq3A_0 : i1 to i32
    %cond3A = arith.constant 0 : i32
    %cond3A_1 = arith.cmpi ne, %convert_element_type3A, %cond3A : i32
    scf.if %cond3A_1 {
      %swap3A_276 = arith.constant 0.000000e+00 : f32
      %swap3A_277 = arith.constant 0 : index
      %swap3A_278 = arith.constant 0 : index
      %swap3A_279 = memref.load %arg6[%swap3A_277, %swap3A_278] : memref<1x1xf32, #tpu.memory_space<smem>>
      memref.store %swap3A_276, %arg6[%swap3A_277, %swap3A_278] : memref<1x1xf32, #tpu.memory_space<smem>>
    } else {
    }
    %get3A = arith.constant 0 : index
    %get3A_2 = vector.load %arg3[%get3A] : memref<2048xi32, #tpu.memory_space<vmem>>, vector<2048xi32>
    %shift_right_arithmetic3A = arith.constant 7 : i32
    %shift_right_arithmetic3A_3 = vector.broadcast %shift_right_arithmetic3A : i32 to vector<2048xi32>
    %shift_right_arithmetic3A_4 = arith.shrsi %get3A_2, %shift_right_arithmetic3A_3 : vector<2048xi32>
    %and3A = arith.constant 3 : i32
    %and3A_5 = vector.broadcast %and3A : i32 to vector<2048xi32>
    %and3A_6 = arith.andi %shift_right_arithmetic3A_4, %and3A_5 : vector<2048xi32>
    %get3A_7 = arith.constant 0 : index
    %get3A_8 = vector.load %arg4[%get3A_7] : memref<2048xi32, #tpu.memory_space<vmem>>, vector<2048xi32>
    %shift_right_arithmetic3A_9 = arith.constant 7 : i32
    %shift_right_arithmetic3A_10 = vector.broadcast %shift_right_arithmetic3A_9 : i32 to vector<2048xi32>
    %shift_right_arithmetic3A_11 = arith.shrsi %get3A_8, %shift_right_arithmetic3A_10 : vector<2048xi32>
    %and3A_12 = arith.constant 3 : i32
    %and3A_13 = vector.broadcast %and3A_12 : i32 to vector<2048xi32>
    %and3A_14 = arith.andi %shift_right_arithmetic3A_11, %and3A_13 : vector<2048xi32>
    %get3A_15 = arith.constant 0 : index
    %get3A_16 = arith.constant 0 : index
    %get3A_17 = vector.load %arg1[%get3A_15, %get3A_16] : memref<2048x128xf32, #tpu.memory_space<vmem>>, vector<2048x128xf32>
    %get3A_18 = arith.constant 0 : index
    %get3A_19 = arith.constant 0 : index
    %get3A_20 = vector.load %arg2[%get3A_18, %get3A_19] : memref<2048x128xf32, #tpu.memory_space<vmem>>, vector<2048x128xf32>
    %broadcast_in_dim3A = arith.constant 0.000000e+00 : f32
    %broadcast_in_dim3A_21 = vector.broadcast %broadcast_in_dim3A : f32 to vector<2048xf32>
    %slice3A = vector.extract_strided_slice %get3A_17 {offsets = [0, 0], sizes = [2048, 32], strides = [1, 1]} : vector<2048x128xf32> to vector<2048x32xf32>
    %slice3A_22 = vector.extract_strided_slice %get3A_20 {offsets = [0, 0], sizes = [2048, 32], strides = [1, 1]} : vector<2048x128xf32> to vector<2048x32xf32>
    %mul3A = arith.mulf %slice3A, %slice3A_22 : vector<2048x32xf32>
    %reduce_sum3A = arith.constant dense<0.000000e+00> : vector<2048xf32>
    %reduce_sum3A_23 = vector.multi_reduction <add>, %mul3A, %reduce_sum3A [1] : vector<2048x32xf32> to vector<2048xf32>
    %eq3A_24 = arith.constant 0 : i32
    %eq3A_25 = vector.broadcast %eq3A_24 : i32 to vector<2048xi32>
    %eq3A_26 = arith.cmpi eq, %and3A_6, %eq3A_25 : vector<2048xi32>
    %eq3A_27 = arith.constant 0 : i32
    %eq3A_28 = vector.broadcast %eq3A_27 : i32 to vector<2048xi32>
    %eq3A_29 = arith.cmpi eq, %and3A_14, %eq3A_28 : vector<2048xi32>
    %and3A_30 = arith.andi %eq3A_26, %eq3A_29 : vector<2048xi1>
    %jit3A = arith.constant 0.000000e+00 : f32
    %broadcast_in_dim3A_31 = vector.broadcast %jit3A : f32 to vector<2048xf32>
    %select_n3A = arith.select %and3A_30, %reduce_sum3A_23, %broadcast_in_dim3A_31 : vector<2048xi1>, vector<2048xf32>
    %add3A = arith.addf %broadcast_in_dim3A_21, %select_n3A : vector<2048xf32>
    %slice3A_32 = vector.extract_strided_slice %get3A_20 {offsets = [0, 32], sizes = [2048, 32], strides = [1, 1]} : vector<2048x128xf32> to vector<2048x32xf32>
    %mul3A_33 = arith.mulf %slice3A, %slice3A_32 : vector<2048x32xf32>
    %reduce_sum3A_34 = arith.constant dense<0.000000e+00> : vector<2048xf32>
    %reduce_sum3A_35 = vector.multi_reduction <add>, %mul3A_33, %reduce_sum3A_34 [1] : vector<2048x32xf32> to vector<2048xf32>
    %eq3A_36 = arith.constant 0 : i32
    %eq3A_37 = vector.broadcast %eq3A_36 : i32 to vector<2048xi32>
    %eq3A_38 = arith.cmpi eq, %and3A_6, %eq3A_37 : vector<2048xi32>
    %eq3A_39 = arith.constant 1 : i32
    %eq3A_40 = vector.broadcast %eq3A_39 : i32 to vector<2048xi32>
    %eq3A_41 = arith.cmpi eq, %and3A_14, %eq3A_40 : vector<2048xi32>
    %and3A_42 = arith.andi %eq3A_38, %eq3A_41 : vector<2048xi1>
    %jit3A_43 = arith.constant 0.000000e+00 : f32
    %broadcast_in_dim3A_44 = vector.broadcast %jit3A_43 : f32 to vector<2048xf32>
    %select_n3A_45 = arith.select %and3A_42, %reduce_sum3A_35, %broadcast_in_dim3A_44 : vector<2048xi1>, vector<2048xf32>
    %add3A_46 = arith.addf %add3A, %select_n3A_45 : vector<2048xf32>
    %slice3A_47 = vector.extract_strided_slice %get3A_20 {offsets = [0, 64], sizes = [2048, 32], strides = [1, 1]} : vector<2048x128xf32> to vector<2048x32xf32>
    %mul3A_48 = arith.mulf %slice3A, %slice3A_47 : vector<2048x32xf32>
    %reduce_sum3A_49 = arith.constant dense<0.000000e+00> : vector<2048xf32>
    %reduce_sum3A_50 = vector.multi_reduction <add>, %mul3A_48, %reduce_sum3A_49 [1] : vector<2048x32xf32> to vector<2048xf32>
    %eq3A_51 = arith.constant 0 : i32
    %eq3A_52 = vector.broadcast %eq3A_51 : i32 to vector<2048xi32>
    %eq3A_53 = arith.cmpi eq, %and3A_6, %eq3A_52 : vector<2048xi32>
    %eq3A_54 = arith.constant 2 : i32
    %eq3A_55 = vector.broadcast %eq3A_54 : i32 to vector<2048xi32>
    %eq3A_56 = arith.cmpi eq, %and3A_14, %eq3A_55 : vector<2048xi32>
    %and3A_57 = arith.andi %eq3A_53, %eq3A_56 : vector<2048xi1>
    %jit3A_58 = arith.constant 0.000000e+00 : f32
    %broadcast_in_dim3A_59 = vector.broadcast %jit3A_58 : f32 to vector<2048xf32>
    %select_n3A_60 = arith.select %and3A_57, %reduce_sum3A_50, %broadcast_in_dim3A_59 : vector<2048xi1>, vector<2048xf32>
    %add3A_61 = arith.addf %add3A_46, %select_n3A_60 : vector<2048xf32>
    %slice3A_62 = vector.extract_strided_slice %get3A_20 {offsets = [0, 96], sizes = [2048, 32], strides = [1, 1]} : vector<2048x128xf32> to vector<2048x32xf32>
    %mul3A_63 = arith.mulf %slice3A, %slice3A_62 : vector<2048x32xf32>
    %reduce_sum3A_64 = arith.constant dense<0.000000e+00> : vector<2048xf32>
    %reduce_sum3A_65 = vector.multi_reduction <add>, %mul3A_63, %reduce_sum3A_64 [1] : vector<2048x32xf32> to vector<2048xf32>
    %eq3A_66 = arith.constant 0 : i32
    %eq3A_67 = vector.broadcast %eq3A_66 : i32 to vector<2048xi32>
    %eq3A_68 = arith.cmpi eq, %and3A_6, %eq3A_67 : vector<2048xi32>
    %eq3A_69 = arith.constant 3 : i32
    %eq3A_70 = vector.broadcast %eq3A_69 : i32 to vector<2048xi32>
    %eq3A_71 = arith.cmpi eq, %and3A_14, %eq3A_70 : vector<2048xi32>
    %and3A_72 = arith.andi %eq3A_68, %eq3A_71 : vector<2048xi1>
    %jit3A_73 = arith.constant 0.000000e+00 : f32
    %broadcast_in_dim3A_74 = vector.broadcast %jit3A_73 : f32 to vector<2048xf32>
    %select_n3A_75 = arith.select %and3A_72, %reduce_sum3A_65, %broadcast_in_dim3A_74 : vector<2048xi1>, vector<2048xf32>
    %add3A_76 = arith.addf %add3A_61, %select_n3A_75 : vector<2048xf32>
    %slice3A_77 = vector.extract_strided_slice %get3A_17 {offsets = [0, 32], sizes = [2048, 32], strides = [1, 1]} : vector<2048x128xf32> to vector<2048x32xf32>
    %slice3A_78 = vector.extract_strided_slice %get3A_20 {offsets = [0, 0], sizes = [2048, 32], strides = [1, 1]} : vector<2048x128xf32> to vector<2048x32xf32>
    %mul3A_79 = arith.mulf %slice3A_77, %slice3A_78 : vector<2048x32xf32>
    %reduce_sum3A_80 = arith.constant dense<0.000000e+00> : vector<2048xf32>
    %reduce_sum3A_81 = vector.multi_reduction <add>, %mul3A_79, %reduce_sum3A_80 [1] : vector<2048x32xf32> to vector<2048xf32>
    %eq3A_82 = arith.constant 1 : i32
    %eq3A_83 = vector.broadcast %eq3A_82 : i32 to vector<2048xi32>
    %eq3A_84 = arith.cmpi eq, %and3A_6, %eq3A_83 : vector<2048xi32>
    %eq3A_85 = arith.constant 0 : i32
    %eq3A_86 = vector.broadcast %eq3A_85 : i32 to vector<2048xi32>
    %eq3A_87 = arith.cmpi eq, %and3A_14, %eq3A_86 : vector<2048xi32>
    %and3A_88 = arith.andi %eq3A_84, %eq3A_87 : vector<2048xi1>
    %jit3A_89 = arith.constant 0.000000e+00 : f32
    %broadcast_in_dim3A_90 = vector.broadcast %jit3A_89 : f32 to vector<2048xf32>
    %select_n3A_91 = arith.select %and3A_88, %reduce_sum3A_81, %broadcast_in_dim3A_90 : vector<2048xi1>, vector<2048xf32>
    %add3A_92 = arith.addf %add3A_76, %select_n3A_91 : vector<2048xf32>
    %slice3A_93 = vector.extract_strided_slice %get3A_20 {offsets = [0, 32], sizes = [2048, 32], strides = [1, 1]} : vector<2048x128xf32> to vector<2048x32xf32>
    %mul3A_94 = arith.mulf %slice3A_77, %slice3A_93 : vector<2048x32xf32>
    %reduce_sum3A_95 = arith.constant dense<0.000000e+00> : vector<2048xf32>
    %reduce_sum3A_96 = vector.multi_reduction <add>, %mul3A_94, %reduce_sum3A_95 [1] : vector<2048x32xf32> to vector<2048xf32>
    %eq3A_97 = arith.constant 1 : i32
    %eq3A_98 = vector.broadcast %eq3A_97 : i32 to vector<2048xi32>
    %eq3A_99 = arith.cmpi eq, %and3A_6, %eq3A_98 : vector<2048xi32>
    %eq3A_100 = arith.constant 1 : i32
    %eq3A_101 = vector.broadcast %eq3A_100 : i32 to vector<2048xi32>
    %eq3A_102 = arith.cmpi eq, %and3A_14, %eq3A_101 : vector<2048xi32>
    %and3A_103 = arith.andi %eq3A_99, %eq3A_102 : vector<2048xi1>
    %jit3A_104 = arith.constant 0.000000e+00 : f32
    %broadcast_in_dim3A_105 = vector.broadcast %jit3A_104 : f32 to vector<2048xf32>
    %select_n3A_106 = arith.select %and3A_103, %reduce_sum3A_96, %broadcast_in_dim3A_105 : vector<2048xi1>, vector<2048xf32>
    %add3A_107 = arith.addf %add3A_92, %select_n3A_106 : vector<2048xf32>
    %slice3A_108 = vector.extract_strided_slice %get3A_20 {offsets = [0, 64], sizes = [2048, 32], strides = [1, 1]} : vector<2048x128xf32> to vector<2048x32xf32>
    %mul3A_109 = arith.mulf %slice3A_77, %slice3A_108 : vector<2048x32xf32>
    %reduce_sum3A_110 = arith.constant dense<0.000000e+00> : vector<2048xf32>
    %reduce_sum3A_111 = vector.multi_reduction <add>, %mul3A_109, %reduce_sum3A_110 [1] : vector<2048x32xf32> to vector<2048xf32>
    %eq3A_112 = arith.constant 1 : i32
    %eq3A_113 = vector.broadcast %eq3A_112 : i32 to vector<2048xi32>
    %eq3A_114 = arith.cmpi eq, %and3A_6, %eq3A_113 : vector<2048xi32>
    %eq3A_115 = arith.constant 2 : i32
    %eq3A_116 = vector.broadcast %eq3A_115 : i32 to vector<2048xi32>
    %eq3A_117 = arith.cmpi eq, %and3A_14, %eq3A_116 : vector<2048xi32>
    %and3A_118 = arith.andi %eq3A_114, %eq3A_117 : vector<2048xi1>
    %jit3A_119 = arith.constant 0.000000e+00 : f32
    %broadcast_in_dim3A_120 = vector.broadcast %jit3A_119 : f32 to vector<2048xf32>
    %select_n3A_121 = arith.select %and3A_118, %reduce_sum3A_111, %broadcast_in_dim3A_120 : vector<2048xi1>, vector<2048xf32>
    %add3A_122 = arith.addf %add3A_107, %select_n3A_121 : vector<2048xf32>
    %slice3A_123 = vector.extract_strided_slice %get3A_20 {offsets = [0, 96], sizes = [2048, 32], strides = [1, 1]} : vector<2048x128xf32> to vector<2048x32xf32>
    %mul3A_124 = arith.mulf %slice3A_77, %slice3A_123 : vector<2048x32xf32>
    %reduce_sum3A_125 = arith.constant dense<0.000000e+00> : vector<2048xf32>
    %reduce_sum3A_126 = vector.multi_reduction <add>, %mul3A_124, %reduce_sum3A_125 [1] : vector<2048x32xf32> to vector<2048xf32>
    %eq3A_127 = arith.constant 1 : i32
    %eq3A_128 = vector.broadcast %eq3A_127 : i32 to vector<2048xi32>
    %eq3A_129 = arith.cmpi eq, %and3A_6, %eq3A_128 : vector<2048xi32>
    %eq3A_130 = arith.constant 3 : i32
    %eq3A_131 = vector.broadcast %eq3A_130 : i32 to vector<2048xi32>
    %eq3A_132 = arith.cmpi eq, %and3A_14, %eq3A_131 : vector<2048xi32>
    %and3A_133 = arith.andi %eq3A_129, %eq3A_132 : vector<2048xi1>
    %jit3A_134 = arith.constant 0.000000e+00 : f32
    %broadcast_in_dim3A_135 = vector.broadcast %jit3A_134 : f32 to vector<2048xf32>
    %select_n3A_136 = arith.select %and3A_133, %reduce_sum3A_126, %broadcast_in_dim3A_135 : vector<2048xi1>, vector<2048xf32>
    %add3A_137 = arith.addf %add3A_122, %select_n3A_136 : vector<2048xf32>
    %slice3A_138 = vector.extract_strided_slice %get3A_17 {offsets = [0, 64], sizes = [2048, 32], strides = [1, 1]} : vector<2048x128xf32> to vector<2048x32xf32>
    %slice3A_139 = vector.extract_strided_slice %get3A_20 {offsets = [0, 0], sizes = [2048, 32], strides = [1, 1]} : vector<2048x128xf32> to vector<2048x32xf32>
    %mul3A_140 = arith.mulf %slice3A_138, %slice3A_139 : vector<2048x32xf32>
    %reduce_sum3A_141 = arith.constant dense<0.000000e+00> : vector<2048xf32>
    %reduce_sum3A_142 = vector.multi_reduction <add>, %mul3A_140, %reduce_sum3A_141 [1] : vector<2048x32xf32> to vector<2048xf32>
    %eq3A_143 = arith.constant 2 : i32
    %eq3A_144 = vector.broadcast %eq3A_143 : i32 to vector<2048xi32>
    %eq3A_145 = arith.cmpi eq, %and3A_6, %eq3A_144 : vector<2048xi32>
    %eq3A_146 = arith.constant 0 : i32
    %eq3A_147 = vector.broadcast %eq3A_146 : i32 to vector<2048xi32>
    %eq3A_148 = arith.cmpi eq, %and3A_14, %eq3A_147 : vector<2048xi32>
    %and3A_149 = arith.andi %eq3A_145, %eq3A_148 : vector<2048xi1>
    %jit3A_150 = arith.constant 0.000000e+00 : f32
    %broadcast_in_dim3A_151 = vector.broadcast %jit3A_150 : f32 to vector<2048xf32>
    %select_n3A_152 = arith.select %and3A_149, %reduce_sum3A_142, %broadcast_in_dim3A_151 : vector<2048xi1>, vector<2048xf32>
    %add3A_153 = arith.addf %add3A_137, %select_n3A_152 : vector<2048xf32>
    %slice3A_154 = vector.extract_strided_slice %get3A_20 {offsets = [0, 32], sizes = [2048, 32], strides = [1, 1]} : vector<2048x128xf32> to vector<2048x32xf32>
    %mul3A_155 = arith.mulf %slice3A_138, %slice3A_154 : vector<2048x32xf32>
    %reduce_sum3A_156 = arith.constant dense<0.000000e+00> : vector<2048xf32>
    %reduce_sum3A_157 = vector.multi_reduction <add>, %mul3A_155, %reduce_sum3A_156 [1] : vector<2048x32xf32> to vector<2048xf32>
    %eq3A_158 = arith.constant 2 : i32
    %eq3A_159 = vector.broadcast %eq3A_158 : i32 to vector<2048xi32>
    %eq3A_160 = arith.cmpi eq, %and3A_6, %eq3A_159 : vector<2048xi32>
    %eq3A_161 = arith.constant 1 : i32
    %eq3A_162 = vector.broadcast %eq3A_161 : i32 to vector<2048xi32>
    %eq3A_163 = arith.cmpi eq, %and3A_14, %eq3A_162 : vector<2048xi32>
    %and3A_164 = arith.andi %eq3A_160, %eq3A_163 : vector<2048xi1>
    %jit3A_165 = arith.constant 0.000000e+00 : f32
    %broadcast_in_dim3A_166 = vector.broadcast %jit3A_165 : f32 to vector<2048xf32>
    %select_n3A_167 = arith.select %and3A_164, %reduce_sum3A_157, %broadcast_in_dim3A_166 : vector<2048xi1>, vector<2048xf32>
    %add3A_168 = arith.addf %add3A_153, %select_n3A_167 : vector<2048xf32>
    %slice3A_169 = vector.extract_strided_slice %get3A_20 {offsets = [0, 64], sizes = [2048, 32], strides = [1, 1]} : vector<2048x128xf32> to vector<2048x32xf32>
    %mul3A_170 = arith.mulf %slice3A_138, %slice3A_169 : vector<2048x32xf32>
    %reduce_sum3A_171 = arith.constant dense<0.000000e+00> : vector<2048xf32>
    %reduce_sum3A_172 = vector.multi_reduction <add>, %mul3A_170, %reduce_sum3A_171 [1] : vector<2048x32xf32> to vector<2048xf32>
    %eq3A_173 = arith.constant 2 : i32
    %eq3A_174 = vector.broadcast %eq3A_173 : i32 to vector<2048xi32>
    %eq3A_175 = arith.cmpi eq, %and3A_6, %eq3A_174 : vector<2048xi32>
    %eq3A_176 = arith.constant 2 : i32
    %eq3A_177 = vector.broadcast %eq3A_176 : i32 to vector<2048xi32>
    %eq3A_178 = arith.cmpi eq, %and3A_14, %eq3A_177 : vector<2048xi32>
    %and3A_179 = arith.andi %eq3A_175, %eq3A_178 : vector<2048xi1>
    %jit3A_180 = arith.constant 0.000000e+00 : f32
    %broadcast_in_dim3A_181 = vector.broadcast %jit3A_180 : f32 to vector<2048xf32>
    %select_n3A_182 = arith.select %and3A_179, %reduce_sum3A_172, %broadcast_in_dim3A_181 : vector<2048xi1>, vector<2048xf32>
    %add3A_183 = arith.addf %add3A_168, %select_n3A_182 : vector<2048xf32>
    %slice3A_184 = vector.extract_strided_slice %get3A_20 {offsets = [0, 96], sizes = [2048, 32], strides = [1, 1]} : vector<2048x128xf32> to vector<2048x32xf32>
    %mul3A_185 = arith.mulf %slice3A_138, %slice3A_184 : vector<2048x32xf32>
    %reduce_sum3A_186 = arith.constant dense<0.000000e+00> : vector<2048xf32>
    %reduce_sum3A_187 = vector.multi_reduction <add>, %mul3A_185, %reduce_sum3A_186 [1] : vector<2048x32xf32> to vector<2048xf32>
    %eq3A_188 = arith.constant 2 : i32
    %eq3A_189 = vector.broadcast %eq3A_188 : i32 to vector<2048xi32>
    %eq3A_190 = arith.cmpi eq, %and3A_6, %eq3A_189 : vector<2048xi32>
    %eq3A_191 = arith.constant 3 : i32
    %eq3A_192 = vector.broadcast %eq3A_191 : i32 to vector<2048xi32>
    %eq3A_193 = arith.cmpi eq, %and3A_14, %eq3A_192 : vector<2048xi32>
    %and3A_194 = arith.andi %eq3A_190, %eq3A_193 : vector<2048xi1>
    %jit3A_195 = arith.constant 0.000000e+00 : f32
    %broadcast_in_dim3A_196 = vector.broadcast %jit3A_195 : f32 to vector<2048xf32>
    %select_n3A_197 = arith.select %and3A_194, %reduce_sum3A_187, %broadcast_in_dim3A_196 : vector<2048xi1>, vector<2048xf32>
    %add3A_198 = arith.addf %add3A_183, %select_n3A_197 : vector<2048xf32>
    %slice3A_199 = vector.extract_strided_slice %get3A_17 {offsets = [0, 96], sizes = [2048, 32], strides = [1, 1]} : vector<2048x128xf32> to vector<2048x32xf32>
    %slice3A_200 = vector.extract_strided_slice %get3A_20 {offsets = [0, 0], sizes = [2048, 32], strides = [1, 1]} : vector<2048x128xf32> to vector<2048x32xf32>
    %mul3A_201 = arith.mulf %slice3A_199, %slice3A_200 : vector<2048x32xf32>
    %reduce_sum3A_202 = arith.constant dense<0.000000e+00> : vector<2048xf32>
    %reduce_sum3A_203 = vector.multi_reduction <add>, %mul3A_201, %reduce_sum3A_202 [1] : vector<2048x32xf32> to vector<2048xf32>
    %eq3A_204 = arith.constant 3 : i32
    %eq3A_205 = vector.broadcast %eq3A_204 : i32 to vector<2048xi32>
    %eq3A_206 = arith.cmpi eq, %and3A_6, %eq3A_205 : vector<2048xi32>
    %eq3A_207 = arith.constant 0 : i32
    %eq3A_208 = vector.broadcast %eq3A_207 : i32 to vector<2048xi32>
    %eq3A_209 = arith.cmpi eq, %and3A_14, %eq3A_208 : vector<2048xi32>
    %and3A_210 = arith.andi %eq3A_206, %eq3A_209 : vector<2048xi1>
    %jit3A_211 = arith.constant 0.000000e+00 : f32
    %broadcast_in_dim3A_212 = vector.broadcast %jit3A_211 : f32 to vector<2048xf32>
    %select_n3A_213 = arith.select %and3A_210, %reduce_sum3A_203, %broadcast_in_dim3A_212 : vector<2048xi1>, vector<2048xf32>
    %add3A_214 = arith.addf %add3A_198, %select_n3A_213 : vector<2048xf32>
    %slice3A_215 = vector.extract_strided_slice %get3A_20 {offsets = [0, 32], sizes = [2048, 32], strides = [1, 1]} : vector<2048x128xf32> to vector<2048x32xf32>
    %mul3A_216 = arith.mulf %slice3A_199, %slice3A_215 : vector<2048x32xf32>
    %reduce_sum3A_217 = arith.constant dense<0.000000e+00> : vector<2048xf32>
    %reduce_sum3A_218 = vector.multi_reduction <add>, %mul3A_216, %reduce_sum3A_217 [1] : vector<2048x32xf32> to vector<2048xf32>
    %eq3A_219 = arith.constant 3 : i32
    %eq3A_220 = vector.broadcast %eq3A_219 : i32 to vector<2048xi32>
    %eq3A_221 = arith.cmpi eq, %and3A_6, %eq3A_220 : vector<2048xi32>
    %eq3A_222 = arith.constant 1 : i32
    %eq3A_223 = vector.broadcast %eq3A_222 : i32 to vector<2048xi32>
    %eq3A_224 = arith.cmpi eq, %and3A_14, %eq3A_223 : vector<2048xi32>
    %and3A_225 = arith.andi %eq3A_221, %eq3A_224 : vector<2048xi1>
    %jit3A_226 = arith.constant 0.000000e+00 : f32
    %broadcast_in_dim3A_227 = vector.broadcast %jit3A_226 : f32 to vector<2048xf32>
    %select_n3A_228 = arith.select %and3A_225, %reduce_sum3A_218, %broadcast_in_dim3A_227 : vector<2048xi1>, vector<2048xf32>
    %add3A_229 = arith.addf %add3A_214, %select_n3A_228 : vector<2048xf32>
    %slice3A_230 = vector.extract_strided_slice %get3A_20 {offsets = [0, 64], sizes = [2048, 32], strides = [1, 1]} : vector<2048x128xf32> to vector<2048x32xf32>
    %mul3A_231 = arith.mulf %slice3A_199, %slice3A_230 : vector<2048x32xf32>
    %reduce_sum3A_232 = arith.constant dense<0.000000e+00> : vector<2048xf32>
    %reduce_sum3A_233 = vector.multi_reduction <add>, %mul3A_231, %reduce_sum3A_232 [1] : vector<2048x32xf32> to vector<2048xf32>
    %eq3A_234 = arith.constant 3 : i32
    %eq3A_235 = vector.broadcast %eq3A_234 : i32 to vector<2048xi32>
    %eq3A_236 = arith.cmpi eq, %and3A_6, %eq3A_235 : vector<2048xi32>
    %eq3A_237 = arith.constant 2 : i32
    %eq3A_238 = vector.broadcast %eq3A_237 : i32 to vector<2048xi32>
    %eq3A_239 = arith.cmpi eq, %and3A_14, %eq3A_238 : vector<2048xi32>
    %and3A_240 = arith.andi %eq3A_236, %eq3A_239 : vector<2048xi1>
    %jit3A_241 = arith.constant 0.000000e+00 : f32
    %broadcast_in_dim3A_242 = vector.broadcast %jit3A_241 : f32 to vector<2048xf32>
    %select_n3A_243 = arith.select %and3A_240, %reduce_sum3A_233, %broadcast_in_dim3A_242 : vector<2048xi1>, vector<2048xf32>
    %add3A_244 = arith.addf %add3A_229, %select_n3A_243 : vector<2048xf32>
    %slice3A_245 = vector.extract_strided_slice %get3A_20 {offsets = [0, 96], sizes = [2048, 32], strides = [1, 1]} : vector<2048x128xf32> to vector<2048x32xf32>
    %mul3A_246 = arith.mulf %slice3A_199, %slice3A_245 : vector<2048x32xf32>
    %reduce_sum3A_247 = arith.constant dense<0.000000e+00> : vector<2048xf32>
    %reduce_sum3A_248 = vector.multi_reduction <add>, %mul3A_246, %reduce_sum3A_247 [1] : vector<2048x32xf32> to vector<2048xf32>
    %eq3A_249 = arith.constant 3 : i32
    %eq3A_250 = vector.broadcast %eq3A_249 : i32 to vector<2048xi32>
    %eq3A_251 = arith.cmpi eq, %and3A_6, %eq3A_250 : vector<2048xi32>
    %eq3A_252 = arith.constant 3 : i32
    %eq3A_253 = vector.broadcast %eq3A_252 : i32 to vector<2048xi32>
    %eq3A_254 = arith.cmpi eq, %and3A_14, %eq3A_253 : vector<2048xi32>
    %and3A_255 = arith.andi %eq3A_251, %eq3A_254 : vector<2048xi1>
    %jit3A_256 = arith.constant 0.000000e+00 : f32
    %broadcast_in_dim3A_257 = vector.broadcast %jit3A_256 : f32 to vector<2048xf32>
    %select_n3A_258 = arith.select %and3A_255, %reduce_sum3A_248, %broadcast_in_dim3A_257 : vector<2048xi1>, vector<2048xf32>
    %add3A_259 = arith.addf %add3A_244, %select_n3A_258 : vector<2048xf32>
    %get3A_260 = arith.constant 0 : index
    %get3A_261 = vector.load %arg5[%get3A_260] : memref<2048xf32, #tpu.memory_space<vmem>>, vector<2048xf32>
    %sub3A = arith.subf %get3A_261, %add3A_259 : vector<2048xf32>
    %get3A_262 = arith.constant 0 : index
    %get3A_263 = arith.constant 0 : index
    %get3A_264 = memref.load %arg6[%get3A_262, %get3A_263] : memref<1x1xf32, #tpu.memory_space<smem>>
    %mul3A_265 = arith.mulf %sub3A, %sub3A : vector<2048xf32>
    %reduce_sum3A_266 = vector.shape_cast %mul3A_265 : vector<2048xf32> to vector<1x2048xf32>
    %reduce_sum3A_267 = arith.constant dense<0.000000e+00> : vector<1xf32>
    %reduce_sum3A_268 = vector.multi_reduction <add>, %reduce_sum3A_266, %reduce_sum3A_267 [1] : vector<1x2048xf32> to vector<1xf32>
    %reduce_sum3A_269 = vector.shape_cast %reduce_sum3A_268 : vector<1xf32> to vector<1x1xf32>
    %reduce_sum3A_270 = vector.extract %reduce_sum3A_269[0, 0] : f32 from vector<1x1xf32>
    %mul3A_271 = arith.constant 6.10351563E-5 : f32
    %mul3A_272 = arith.mulf %reduce_sum3A_270, %mul3A_271 : f32
    %add3A_273 = arith.addf %get3A_264, %mul3A_272 : f32
    %swap3A = arith.constant 0 : index
    %swap3A_274 = arith.constant 0 : index
    %swap3A_275 = memref.load %arg6[%swap3A, %swap3A_274] : memref<1x1xf32, #tpu.memory_space<smem>>
    memref.store %add3A_273, %arg6[%swap3A, %swap3A_274] : memref<1x1xf32, #tpu.memory_space<smem>>
    return
  }
  func.func @transform_0(%arg0: i32) -> (i32, i32) {
    %c0_i32 = arith.constant 0 : i32
    %c0_i32_0 = arith.constant 0 : i32
    return %arg0, %c0_i32 : i32, i32
  }
  func.func @transform_1(%arg0: i32) -> (i32, i32) {
    %c0_i32 = arith.constant 0 : i32
    %c0_i32_0 = arith.constant 0 : i32
    return %arg0, %c0_i32 : i32, i32
  }
  func.func @transform_2(%arg0: i32) -> i32 {
    %c0_i32 = arith.constant 0 : i32
    return %arg0 : i32
  }
  func.func @transform_3(%arg0: i32) -> i32 {
    %c0_i32 = arith.constant 0 : i32
    return %arg0 : i32
  }
  func.func @transform_4(%arg0: i32) -> i32 {
    %c0_i32 = arith.constant 0 : i32
    return %arg0 : i32
  }
  func.func @transform_5(%arg0: i32) -> (i32, i32) {
    %c0_i32 = arith.constant 0 : i32
    %c0_i32_0 = arith.constant 0 : i32
    %c0_i32_1 = arith.constant 0 : i32
    return %c0_i32, %c0_i32_0 : i32, i32
  }
}

</mosaic_0001>

<sc_bundles>
// kernel: kernel.6.cloned.1.call-start
scs
__scs_entry_jumppad:
0x0: {  	(pc) =	sbr.rel $0x88, $3  }
0x1: {  	(tag) =	ssettag $0x0;
	lr =	simm.s32 $0x1  }
0x2: {  	[smem:$0x3F9C] =	sst lr;
	_ =	strace $0xD0000000  }
0x3: {  	_ = 	snop  }
0x4: {  	_ = 	snop  }
0x5: {  	_ = 	snop  }
0x6: {  	_ = 	snop  }
0x7: {  	_ = 	snop  }
__scs_overlays_trampoline_lowered:
0x8: {  	[smem:$0x3FAB] =	sst s0  }
0x9: {  	[smem:$0x3FAC] =	sst s1  }
0xa: {  	[smem:$0x3FAD] =	sst s2  }
0xb: {  	[smem:$0x3FAE] =	sst s3  }
0xc: {  	[smem:$0x3FAF] =	sst s4  }
0xd: {  	[smem:$0x3FB0] =	sst s5  }
0xe: {  	[smem:$0x3FB1] =	sst s6  }
0xf: {  	[smem:$0x3FB2] =	sst s7  }
0x10: {  	[smem:$0x3FB3] =	sst s8  }
0x11: {  	[smem:$0x3FB4] =	sst s9;
	s0 =	simm.s32 @!p0 $0x0  }
0x12: {  	s1 =	sld [smem:$0x3F9A];
	s0 =	simm.s32 @p0 $0x1  }
0x13: {  	[smem:$0x3FB5] =	sst s0;
	s0 =	simm.s32 @!p1 $0x0  }
0x14: {  	s2 =	sld [smem:$0x3F99];
	s0 =	simm.s32 @p1 $0x1  }
0x15: {  	[smem:$0x3FB6] =	sst s0;
	s0 =	simm.s32 @!p2 $0x0  }
0x16: {  	s3 =	sld [smem:$0x3FDB];
	s0 =	simm.s32 @p2 $0x1  }
0x17: {  	s4 =	simm.s32 $0x1BF5;
	[smem:$0x3FB8] =	sst s0  }
0x18: {  	s0 =	sld [smem:$0x3F9B];
	_ =	swait.ge [sflag:s4], $0x0  }
0x19: {  	s7 =	sld [smem:$0x3F9C]  }
0x1a: {  	s8 =	sadd.s32 $0xFFFFE003, lr  }
0x1b: {  	s9 =	sadd.s32 $0xFFFFFEF7, lr;
	s5 =	simm.s32 $0xFFFFFFFF;
	p2 =	slt.u32 s8, $0xFFFFF086  }
0x1c: {  	p1 =	slt.u32 s9, $0xF7A;
	s5 =	simm.s32 @!p2 $0x0  }
0x1d: {  	s5 =	simm.s32 @p1 $0x1;
	p0 =	seq.s32 s7, s2  }
0x1e: {  	s7 =	smul.u32 @!p0 $0xF7A, s2;
	p2 =	seq.s32 @!p0 s5, $0x0  }
0x1f: {  	s9 =	smul.u32 $0xF7A, s1;
	s8 =	simm.s32 @!p0 $0x1BF5;
	p2 =	por !p2, p0  }
0x20: {  	[sflag:s8] =	ssyncset.s32 @!p0 $0xFFFFF086;
	s6 =	sadd.s32 @!p0 s3, s7;
	s7 =	simm.s32 @!p0 $0x108  }
0x21: {  	s3 =	sadd.s32 s3, s9;
	s6 =	sadd.s32 @!p0 $0x88, s6;
	s7 =	simm.s32 @p2 $0x1082  }
0x22: {  	[simem:s7], [sflag:s8] =	dma.local @!p0 [hbm:s6], $0xF7A  }
0x23: {  	s9 =	sor.u32 $0xD0000000, s2;
	s6 =	simm.s32 $0x108;
	_ =	swait.ge @!p0 [sflag:s8], $0x0  }
0x24: {  	s3 =	sadd.s32 $0x88, s3;
	s6 =	simm.s32 @!p1 $0x1082;
	[sflag:s4] =	ssyncset.s32 $0xFFFFF086  }
0x25: {  	[simem:s6], [sflag:s4] =	dma.local [hbm:s3], $0xF7A  }
0x26: {  	[smem:$0x3F9C] =	sst s1;
	(tag) =	ssettag s2;
	_ =	strace s9  }
0x27: {  	s1 =	sld [smem:$0x3FAC]  }
0x28: {  	s2 =	sld [smem:$0x3FAD]  }
0x29: {  	s4 =	sld [smem:$0x3FAF]  }
0x2a: {  	p0 =	seq.s32 s5, $0x0;
	s5 =	sld [smem:$0x3FB0]  }
0x2b: {  	s6 =	sld [smem:$0x3FB1]  }
0x2c: {  	s7 =	sld [smem:$0x3FB2]  }
0x2d: {  	s3 =	simm.s32 $0x108;
	s8 =	sld [smem:$0x3FB3]  }
0x2e: {  	s3 =	simm.s32 @!p0 $0x1082;
	s9 =	sld [smem:$0x3FB4]  }
0x2f: {  	lr =	sadd.s32 s0, s3;
	s0 =	sld [smem:$0x3FAB]  }
0x30: {  	s3 =	sld [smem:$0x3FAE]  }
0x31: {  	[smem:$0x3FB7] =	sst s10  }
0x32: {  	s10 =	sld [smem:$0x3FB5];
	_ =	sdelay $0x3  }
0x33: {  	p0 =	seq.s32 s10, $0x1;
	s10 =	sld [smem:$0x3FB7];
	_ =	sdelay $0x3  }
0x34: {  	[smem:$0x3FB7] =	sst s10  }
0x35: {  	s10 =	sld [smem:$0x3FB6];
	_ =	sdelay $0x3  }
0x36: {  	p1 =	seq.s32 s10, $0x1;
	s10 =	sld [smem:$0x3FB7];
	_ =	sdelay $0x3  }
0x37: {  	[smem:$0x3FB7] =	sst s10  }
0x38: {  	s10 =	sld [smem:$0x3FB8]  }
0x39: {  	_ = 	snop;
	(pc) =	sbr.ind lr, $3  }
0x3a: {  	_ = 	snop  }
0x3b: {  	_ = 	snop  }
0x3c: {  	p2 =	seq.s32 s10, $0x1;
	s10 =	sld [smem:$0x3FB7]  }
0x3d: {  	_ =	shalt  }
0x3e: {  	_ =	shalt  }
0x3f: {  	_ =	shalt  }
0x40: {  	_ =	shalt  }
0x41: {  	_ =	shalt  }
0x42: {  	_ =	shalt  }
0x43: {  	_ =	shalt  }
0x44: {  	_ =	shalt  }
0x45: {  	_ =	shalt  }
0x46: {  	_ =	shalt  }
0x47: {  	_ =	shalt  }
0x48: {  	_ =	shalt  }
0x49: {  	_ =	shalt  }
0x4a: {  	_ =	shalt  }
0x4b: {  	_ =	shalt  }
0x4c: {  	_ =	shalt  }
0x4d: {  	_ =	shalt  }
0x4e: {  	_ =	shalt  }
0x4f: {  	_ =	shalt  }
0x50: {  	_ =	shalt  }
0x51: {  	_ =	shalt  }
0x52: {  	_ =	shalt  }
0x53: {  	_ =	shalt  }
0x54: {  	_ =	shalt  }
0x55: {  	_ =	shalt  }
0x56: {  	_ =	shalt  }
0x57: {  	_ =	shalt  }
0x58: {  	_ =	shalt  }
0x59: {  	_ =	shalt  }
0x5a: {  	_ =	shalt  }
0x5b: {  	_ =	shalt  }
0x5c: {  	_ =	shalt  }
0x5d: {  	_ =	shalt  }
0x5e: {  	_ =	shalt  }
0x5f: {  	_ =	shalt  }
0x60: {  	_ =	shalt  }
0x61: {  	_ =	shalt  }
0x62: {  	_ =	shalt  }
0x63: {  	_ =	shalt  }
0x64: {  	_ =	shalt  }
0x65: {  	_ =	shalt  }
0x66: {  	_ =	shalt  }
0x67: {  	_ =	shalt  }
0x68: {  	_ =	shalt  }
0x69: {  	_ =	shalt  }
0x6a: {  	_ =	shalt  }
0x6b: {  	_ =	shalt  }
0x6c: {  	_ =	shalt  }
0x6d: {  	_ =	shalt  }
0x6e: {  	_ =	shalt  }
0x6f: {  	_ =	shalt  }
0x70: {  	_ =	shalt  }
0x71: {  	_ =	shalt  }
0x72: {  	_ =	shalt  }
0x73: {  	_ =	shalt  }
0x74: {  	_ =	shalt  }
0x75: {  	_ =	shalt  }
0x76: {  	_ =	shalt  }
0x77: {  	_ =	shalt  }
0x78: {  	_ =	shalt  }
0x79: {  	_ =	shalt  }
0x7a: {  	_ =	shalt  }
0x7b: {  	_ =	shalt  }
0x7c: {  	_ =	shalt  }
0x7d: {  	_ =	shalt  }
0x7e: {  	_ =	shalt  }
0x7f: {  	_ =	shalt  }
0x80: {  	_ =	shalt  }
0x81: {  	_ =	shalt  }
0x82: {  	_ =	shalt  }
0x83: {  	_ =	shalt  }
0x84: {  	_ =	shalt  }
0x85: {  	_ =	shalt  }
0x86: {  	_ =	shalt  }
0x87: {  	_ =	shalt  }
.Lfunc_end0:
.L_simem_size_0:
called_computation_lowered:
.L_overlay_start_0:
0x88: {  	s2 =	sld [smem:$0x3FD9]  }
0x89: {  	s3 =	sld [smem:$0x3FFE];
	_ =	sdelay $0x1  }
0x8a: {  	s1 =	srdreg.scid  }
0x8b: {  	s0 =	sand.u32 $0x1, s1  }
0x8c: {  	s16 =	sshll.u32 s0, $0xA;
	s2 =	sadd.s32 s3, s2  }
0x8d: {  	s2 =	sadd.s32 s2, s16  }
0x8e: {  	[smem:$0x3FC3] =	sst s2  }
0x8f: {  	_ = 	snop  }
0x90: {  	(tm) =	ssettm $0x1  }
0x91: {  	s17 =	sld [smem:$0x3FFB];
	_ =	sdelay $0x3  }
0x92: {  	_ =	strace s17  }
0x93: {  	s2 =	sld [smem:$0x3FFC];
	_ =	sdelay $0x3  }
0x94: {  	_ =	strace s2  }
0x95: {  	s2 =	sld [smem:$0x3FFD];
	_ =	sdelay $0x3  }
0x96: {  	_ =	strace s2  }
0x97: {  	_ =	strace $0x8FFFFFFF  }
0x98: {  	s18 =	sld [smem:$0x3FDB];
	_ =	sdelay $0x1  }
0x99: {  	s19 =	simm.s32 $_scs_section_size  }
0x9a: {  	s4 =	simm.s32 $_size__tile_overlayer_lowered;
	s5 =	simm.s32 $_tile_overlayer_lowered  }
0x9b: {  	s22 =	simm.s32 $0x1BFF;
	s21 =	sshll.u32 s5, $0x1;
	s2 =	sadd.s32 s19, s18  }
0x9c: {  	s6 =	simm.s32 $0x0;
	s20 =	sshll.u32 s4, $0x1;
	s4 =	sadd.s32 s21, s2  }
0x9d: {  	[timem:s6], [sflag:s22] =	dma.local [hbm:s4], s20  }
0x9e: {  	_ =	swait.ge [sflag:s22], s20  }
0x9f: {  	s3 =	ssub.s32 $0x0, s20;
	[sflag:s22] =	ssyncset.done $0x0  }
0xa0: {  	[sflag:s22] =	ssyncadd.s32 s3;
	_ =	sdelay $0x1  }
0xa1: {  	s23 =	simm.s32 $0x1B8B  }
0xa2: {  	_ =	swait.ge [sflag:s23], $0x1  }
0xa3: {  	[sflag:s23] =	ssyncset.done $0x0  }
0xa4: {  	s25 =	simm.s32 $0x1B8E;
	s24 =	sld [smem:$0x3FFE];
	[sflag:s23] =	ssyncadd.s32 $0xFFFFFFFF  }
0xa5: {  	s26 =	simm.s32 $execute0_lowered;
	[smem:$0x3FD2] =	sst s25  }
0xa6: {  	s4 =	sshll.u32 s26, $0x1;
	_ =	strace $0x80000046;
	[dreg:$0x1] =	wrdreg $0xFFFFFFFF  }
0xa7: {  	s28 =	simm.s32 $_size_execute0_lowered;
	s2 =	sadd.s32 s2, s4;
	[dreg:$0x0] =	wrdreg $0x0  }
0xa8: {  	s4 =	sshll.u32 s28, $0x1;
	[dreg:$0x2] =	wrdreg s2  }
0xa9: {  	[dreg:$0x3] =	wrdreg s4  }
0xaa: {  	[dreg:$0x4] =	wrdreg $0xC0  }
0xab: {  	_ =	task [dreg:s6], $0x5FFFF  }
0xac: {  	[dreg:$0x1] =	wrdreg $0xFFFFFFFF  }
0xad: {  	[dreg:$0x0] =	wrdreg $0x60  }
0xae: {  	[dreg:$0x2] =	wrdreg s24  }
0xaf: {  	[dreg:$0x3] =	wrdreg $0x9  }
0xb0: {  	_ =	task.clear_ibuf [dreg:s6], $0x4FFFF;
	_ =	strace $0x90000046  }
0xb1: {  	s29 =	simm.s32 $0x9;
	_ =	strace $0x80000048  }
0xb2: {  	_ =	swait.ge [sflag:s29], $0x1  }
0xb3: {  	[sflag:s29] =	ssyncadd.s32 $0xFFFFFFFF  }
0xb4: {  	_ =	strace $0x90000048  }
0xb5: {  	_ =	sfence  }
0xb6: {  	s30 =	sld [smem:$0x0];
	_ =	sdelay $0x2  }
0xb7: {  	s31 =	sshll.u32 s1, $0xD;
	s1 =	sshrl.u32 s1, $0x2  }
0xb8: {  	s3 =	sand.u32 $0x4000, s31;
	s1 =	sadd.s32 s1, s30  }
0xb9: {  	s0 =	sor.u32 s3, s0;
	s1 =	sshll.u32 s1, $0x11  }
0xba: {  	s0 =	sor.u32 s1, s0  }
0xbb: {  	s0 =	sadd.s32 $0x8F2B, s0  }
0xbc: {  	[sflag:s0] =	ssyncadd.remote.s32 $0x1  }
0xbd: {  	_ =	sfence.sel $0xFFFF  }
0xbe: {  	[dreg:$0x0] =	wrdreg $0xFFFFFFFF;
	(pc) =	sbr.abs _section_cstart, $3  }
0xbf: {  	[dreg:$0x1] =	wrdreg $0xFFFFFFFF  }
0xc0: {  	_ =	task.clear_ibuf [dreg:s6], $0x2FFFF;
	_ =	strace $0x9FFFFFFF  }
0xc1: {  	(tm) =	ssettm $0x7FFFFFFF  }
tec
execute0_lowered:
.L_overlay_start_1:
0x0: {  	(tag) =	ssettag $0x1  }
0x1: {  	s1 =	srdreg.scid  }
0x2: {  	s0 =	stileid.u32;
	s1 =	sand.u32 $0x1, s1  }
0x3: {  	s3 =	sshll.u32 s0, $0xA;
	s4 =	sshll.u32 s1, $0x9  }
0x4: {  	s24 =	rddreg [dreg:$0x0];
	s23 =	sor.u32 s4, s3  }
0x5: {  	s2 =	simm.s32 $0x0;
	s13 =	sadd.s32 $0x7B2000, s24;
	s3 =	sshrl.u32 s23, $0x3  }
0x6: {  	[smem:$0x7FF] =	sst s2;
	s15 =	sadd.s32 $0x7B1800, s24;
	s26 =	sadd.s32 s13, s3  }
0x7: {  	_ =	strace $0x80000047;
	s3 =	sadd.s32 s15, s3;
	[dreg:$0x2] =	wrdreg s26  }
0x8: {  	[dreg:$0x3] =	wrdreg s3  }
0x9: {  	s3 =	simm.s32 $0x3;
	s4 =	rddreg [dreg:$0x2]  }
0xa: {  	[tilespmem:s2], [sflag:$0x3] =	stream.linear.gather [hbm4b:s4+s2], $0x80, $0x38;
	[tilespmem:$0x8400] =	vst v63  }
0xb: {  	_ =	swait.ge [sflag:s3], $0x80  }
0xc: {  	[sflag:s3] =	ssyncset.done $0x0  }
0xd: {  	s4 =	simm.s32 $0x200;
	s5 =	rddreg [dreg:$0x3];
	[sflag:s3] =	ssyncadd.s32 $0xFFFFFF80  }
0xe: {  	[tilespmem:s4], [sflag:$0x3] =	stream.linear.gather [hbm4b:s5+s2], $0x80, $0x38;
	[tilespmem:$0x8400] =	vst v63  }
0xf: {  	s25 =	sor.u32 $0x80, s23;
	_ =	swait.ge [sflag:s3], $0x80  }
0x10: {  	s7 =	sshrl.u32 s25, $0x3;
	[sflag:s3] =	ssyncset.done $0x0  }
0x11: {  	s6 =	simm.s32 $0x80;
	s5 =	sadd.s32 s13, s7;
	[sflag:s3] =	ssyncadd.s32 $0xFFFFFF80  }
0x12: {  	[tilespmem:s6], [sflag:$0x3] =	stream.linear.gather [hbm4b:s5+s2], $0x80, $0x38;
	[tilespmem:$0x8400] =	vst v63  }
0x13: {  	_ =	swait.ge [sflag:s3], $0x80  }
0x14: {  	[sflag:s3] =	ssyncset.done $0x0  }
0x15: {  	s8 =	simm.s32 $0x280;
	s7 =	sadd.s32 s15, s7;
	[sflag:s3] =	ssyncadd.s32 $0xFFFFFF80  }
0x16: {  	[tilespmem:s8], [sflag:$0x3] =	stream.linear.gather [hbm4b:s7+s2], $0x80, $0x38;
	[tilespmem:$0x8400] =	vst v63  }
0x17: {  	s28 =	sor.u32 $0x100, s23;
	_ =	swait.ge [sflag:s3], $0x80  }
0x18: {  	s11 =	sshrl.u32 s28, $0x3;
	[sflag:s3] =	ssyncset.done $0x0  }
0x19: {  	s10 =	simm.s32 $0x100;
	s9 =	sadd.s32 s13, s11;
	[sflag:s3] =	ssyncadd.s32 $0xFFFFFF80  }
0x1a: {  	[tilespmem:s10], [sflag:$0x3] =	stream.linear.gather [hbm4b:s9+s2], $0x80, $0x38;
	[tilespmem:$0x8400] =	vst v63  }
0x1b: {  	_ =	swait.ge [sflag:s3], $0x80  }
0x1c: {  	[sflag:s3] =	ssyncset.done $0x0  }
0x1d: {  	s12 =	simm.s32 $0x300;
	s11 =	sadd.s32 s15, s11;
	[sflag:s3] =	ssyncadd.s32 $0xFFFFFF80  }
0x1e: {  	[tilespmem:s12], [sflag:$0x3] =	stream.linear.gather [hbm4b:s11+s2], $0x80, $0x38;
	[tilespmem:$0x8400] =	vst v63  }
0x1f: {  	s30 =	sor.u32 $0x180, s23;
	_ =	swait.ge [sflag:s3], $0x80  }
0x20: {  	s16 =	sshrl.u32 s30, $0x3;
	[sflag:s3] =	ssyncset.done $0x0  }
0x21: {  	s14 =	simm.s32 $0x180;
	s13 =	sadd.s32 s13, s16;
	[sflag:s3] =	ssyncadd.s32 $0xFFFFFF80  }
0x22: {  	[tilespmem:s14], [sflag:$0x3] =	stream.linear.gather [hbm4b:s13+s2], $0x80, $0x38;
	[tilespmem:$0x8400] =	vst v63  }
0x23: {  	_ =	swait.ge [sflag:s3], $0x80  }
0x24: {  	[sflag:s3] =	ssyncset.done $0x0  }
0x25: {  	s15 =	sadd.s32 s15, s16;
	s16 =	simm.s32 $0x380;
	[sflag:s3] =	ssyncadd.s32 $0xFFFFFF80  }
0x26: {  	[tilespmem:s16], [sflag:$0x3] =	stream.linear.gather [hbm4b:s15+s2], $0x80, $0x38;
	[tilespmem:$0x8400] =	vst v63  }
0x27: {  	_ =	swait.ge [sflag:s3], $0x80  }
0x28: {  	[sflag:s3] =	ssyncset.done $0x0  }
0x29: {  	s18 =	simm.s32 $0x400;
	s17 =	sadd.s32 $0x1800, s24;
	[sflag:s3] =	ssyncadd.s32 $0xFFFFFF80  }
0x2a: {  	[tilespmem:s18], [sflag:$0x1] =	stream.indirect.gather [hbm4b:s17+s6], $0x80, s2, s6, $0xb8;
	[tilespmem:$0x8400] =	vst v63  }
0x2b: {  	s20 =	simm.s32 $0x4400;
	s21 =	simm.s32 $0x1;
	s19 =	sadd.s32 $0x3D9800, s24  }
0x2c: {  	[tilespmem:s20], [sflag:$0x2] =	stream.indirect.gather [hbm4b:s19+s6], $0x80, s4, s6, $0xb8;
	[tilespmem:$0x8400] =	vst v63  }
0x2d: {  	_ =	swait.ge [sflag:s21], $0x4000  }
0x2e: {  	[sflag:s21] =	ssyncset.done $0x0  }
0x2f: {  	s22 =	simm.s32 $0x2;
	[sflag:s21] =	ssyncadd.s32 $0xFFFFC000  }
0x30: {  	_ =	swait.ge [sflag:s22], $0x4000  }
0x31: {  	s31 =	sadd.s32 $0x7B2800, s24;
	s26 =	sshll.u32 s23, $0x4;
	[sflag:s22] =	ssyncset.done $0x0  }
0x32: {  	s23 =	sadd.s32 s31, s26;
	[sflag:s22] =	ssyncadd.s32 $0xFFFFC000  }
0x33: {  	[hbm4b:s23+s2] =	stream.linear.scatter [tilespmem:s18], [sflag:$0x3], $0x4000, $0x38;
	[tilespmem:$0x8400] =	vst v63  }
0x34: {  	_ =	swait.ge [sflag:s3], $0x4000  }
0x35: {  	s0 =	smov.u32 s1;
	s1 =	sadd.s32 $0x7F2800, s24;
	[sflag:s3] =	ssyncset.done $0x0  }
0x36: {  	s24 =	sadd.s32 s1, s26;
	[sflag:s3] =	ssyncadd.s32 $0xFFFFC000  }
0x37: {  	[hbm4b:s24+s2] =	stream.linear.scatter [tilespmem:s20], [sflag:$0x3], $0x4000, $0x38;
	[tilespmem:$0x8400] =	vst v63  }
0x38: {  	_ =	swait.ge [sflag:s3], $0x4000  }
0x39: {  	[sflag:s3] =	ssyncset.done $0x0  }
0x3a: {  	[sflag:s3] =	ssyncadd.s32 $0xFFFFC000  }
0x3b: {  	[tilespmem:s18], [sflag:$0x1] =	stream.indirect.gather [hbm4b:s17+s6], $0x80, s6, s6, $0xb8;
	[tilespmem:$0x8400] =	vst v63  }
0x3c: {  	_ = 	snop  }
0x3d: {  	[tilespmem:s20], [sflag:$0x2] =	stream.indirect.gather [hbm4b:s19+s6], $0x80, s8, s6, $0xb8;
	[tilespmem:$0x8400] =	vst v63  }
0x3e: {  	_ =	swait.ge [sflag:s21], $0x4000  }
0x3f: {  	[sflag:s21] =	ssyncset.done $0x0  }
0x40: {  	[sflag:s21] =	ssyncadd.s32 $0xFFFFC000  }
0x41: {  	_ =	swait.ge [sflag:s22], $0x4000  }
0x42: {  	s26 =	sshll.u32 s25, $0x4;
	[sflag:s22] =	ssyncset.done $0x0  }
0x43: {  	s25 =	sadd.s32 s31, s26;
	[sflag:s22] =	ssyncadd.s32 $0xFFFFC000  }
0x44: {  	[hbm4b:s25+s2] =	stream.linear.scatter [tilespmem:s18], [sflag:$0x3], $0x4000, $0x38;
	[tilespmem:$0x8400] =	vst v63  }
0x45: {  	_ =	swait.ge [sflag:s3], $0x4000  }
0x46: {  	[sflag:s3] =	ssyncset.done $0x0  }
0x47: {  	s26 =	sadd.s32 s1, s26;
	[dreg:$0x4] =	wrdreg s1;
	[sflag:s3] =	ssyncadd.s32 $0xFFFFC000  }
0x48: {  	[hbm4b:s26+s2] =	stream.linear.scatter [tilespmem:s20], [sflag:$0x3], $0x4000, $0x38;
	[tilespmem:$0x8400] =	vst v63  }
0x49: {  	_ =	swait.ge [sflag:s3], $0x4000  }
0x4a: {  	[sflag:s3] =	ssyncset.done $0x0  }
0x4b: {  	[sflag:s3] =	ssyncadd.s32 $0xFFFFC000  }
0x4c: {  	[tilespmem:s18], [sflag:$0x1] =	stream.indirect.gather [hbm4b:s17+s6], $0x80, s10, s6, $0xb8;
	[tilespmem:$0x8400] =	vst v63  }
0x4d: {  	_ = 	snop  }
0x4e: {  	[tilespmem:s20], [sflag:$0x2] =	stream.indirect.gather [hbm4b:s19+s6], $0x80, s12, s6, $0xb8;
	[tilespmem:$0x8400] =	vst v63  }
0x4f: {  	_ =	swait.ge [sflag:s21], $0x4000  }
0x50: {  	[sflag:s21] =	ssyncset.done $0x0  }
0x51: {  	[sflag:s21] =	ssyncadd.s32 $0xFFFFC000  }
0x52: {  	_ =	swait.ge [sflag:s22], $0x4000  }
0x53: {  	s29 =	sshll.u32 s28, $0x4;
	[sflag:s22] =	ssyncset.done $0x0  }
0x54: {  	s28 =	sadd.s32 s31, s29;
	[sflag:s22] =	ssyncadd.s32 $0xFFFFC000  }
0x55: {  	[hbm4b:s28+s2] =	stream.linear.scatter [tilespmem:s18], [sflag:$0x3], $0x4000, $0x38;
	[tilespmem:$0x8400] =	vst v63  }
0x56: {  	_ =	swait.ge [sflag:s3], $0x4000  }
0x57: {  	[sflag:s3] =	ssyncset.done $0x0  }
0x58: {  	s29 =	sadd.s32 s1, s29;
	[sflag:s3] =	ssyncadd.s32 $0xFFFFC000  }
0x59: {  	[hbm4b:s29+s2] =	stream.linear.scatter [tilespmem:s20], [sflag:$0x3], $0x4000, $0x38;
	[tilespmem:$0x8400] =	vst v63  }
0x5a: {  	_ =	swait.ge [sflag:s3], $0x4000  }
0x5b: {  	[sflag:s3] =	ssyncset.done $0x0  }
0x5c: {  	[sflag:s3] =	ssyncadd.s32 $0xFFFFC000  }
0x5d: {  	[tilespmem:s18], [sflag:$0x1] =	stream.indirect.gather [hbm4b:s17+s6], $0x80, s14, s6, $0xb8;
	[tilespmem:$0x8400] =	vst v63  }
0x5e: {  	_ = 	snop  }
0x5f: {  	[tilespmem:s20], [sflag:$0x2] =	stream.indirect.gather [hbm4b:s19+s6], $0x80, s16, s6, $0xb8;
	[tilespmem:$0x8400] =	vst v63  }
0x60: {  	_ =	swait.ge [sflag:s21], $0x4000  }
0x61: {  	s0 =	ssub.s32 $0x2, s0;
	s1 =	sshll.u32 s30, $0x4;
	[sflag:s21] =	ssyncset.done $0x0  }
0x62: {  	s30 =	sadd.s32 s31, s1;
	s31 =	sshrl.u32 s0, $0x1;
	[sflag:s21] =	ssyncadd.s32 $0xFFFFC000  }
0x63: {  	s0 =	ssub.s32 s0, s31;
	_ =	swait.ge [sflag:s22], $0x4000  }
0x64: {  	s0 =	smax.u32 s0, $0x1;
	[sflag:s22] =	ssyncset.done $0x0  }
0x65: {  	p0 =	sne.s32 s0, $0x1;
	[sflag:s22] =	ssyncadd.s32 $0xFFFFC000  }
0x66: {  	[hbm4b:s30+s2] =	stream.linear.scatter [tilespmem:s18], [sflag:$0x3], $0x4000, $0x38;
	[tilespmem:$0x8400] =	vst v63  }
.Ltmp0:
0x67: {  	_ =	swait.ge [sflag:s3], $0x4000;
	(pc) =	sbr.rel @!p0 .LBB2_2-.Ltmp0, $4  }
0x68: {  	[sflag:s3] =	ssyncset.done $0x0;
	s31 =	rddreg [dreg:$0x4]  }
0x69: {  	s31 =	sadd.s32 s31, s1;
	[sflag:s3] =	ssyncadd.s32 $0xFFFFC000  }
0x6a: {  	[hbm4b:s31+s2] =	stream.linear.scatter [tilespmem:s20], [sflag:$0x3], $0x4000, $0x38;
	[tilespmem:$0x8400] =	vst v63  }
0x6b: {  	s1 =	sadd.s32 $0xFFFFFFFF, s0;
	_ =	swait.ge [sflag:s3], $0x4000  }
.LBB2_1:
0x6c: {  	[sflag:s3] =	ssyncset.done $0x0  }
0x6d: {  	s0 =	rddreg [dreg:$0x2];
	[sflag:s3] =	ssyncadd.s32 $0xFFFFC000  }
0x6e: {  	[tilespmem:s2], [sflag:$0x3] =	stream.linear.gather [hbm4b:s0+s2], $0x80, $0x38;
	[tilespmem:$0x8400] =	vst v63  }
0x6f: {  	_ =	swait.ge [sflag:s3], $0x80  }
0x70: {  	[sflag:s3] =	ssyncset.done $0x0  }
0x71: {  	s0 =	rddreg [dreg:$0x3];
	[sflag:s3] =	ssyncadd.s32 $0xFFFFFF80  }
0x72: {  	[tilespmem:s4], [sflag:$0x3] =	stream.linear.gather [hbm4b:s0+s2], $0x80, $0x38;
	[tilespmem:$0x8400] =	vst v63  }
0x73: {  	_ =	swait.ge [sflag:s3], $0x80  }
0x74: {  	[sflag:s3] =	ssyncset.done $0x0  }
0x75: {  	[sflag:s3] =	ssyncadd.s32 $0xFFFFFF80  }
0x76: {  	[tilespmem:s6], [sflag:$0x3] =	stream.linear.gather [hbm4b:s5+s2], $0x80, $0x38;
	[tilespmem:$0x8400] =	vst v63  }
0x77: {  	_ =	swait.ge [sflag:s3], $0x80  }
0x78: {  	[sflag:s3] =	ssyncset.done $0x0  }
0x79: {  	[sflag:s3] =	ssyncadd.s32 $0xFFFFFF80  }
0x7a: {  	[tilespmem:s8], [sflag:$0x3] =	stream.linear.gather [hbm4b:s7+s2], $0x80, $0x38;
	[tilespmem:$0x8400] =	vst v63  }
0x7b: {  	_ =	swait.ge [sflag:s3], $0x80  }
0x7c: {  	[sflag:s3] =	ssyncset.done $0x0  }
0x7d: {  	[sflag:s3] =	ssyncadd.s32 $0xFFFFFF80  }
0x7e: {  	[tilespmem:s10], [sflag:$0x3] =	stream.linear.gather [hbm4b:s9+s2], $0x80, $0x38;
	[tilespmem:$0x8400] =	vst v63  }
0x7f: {  	_ =	swait.ge [sflag:s3], $0x80  }
0x80: {  	[sflag:s3] =	ssyncset.done $0x0  }
0x81: {  	[sflag:s3] =	ssyncadd.s32 $0xFFFFFF80  }
0x82: {  	[tilespmem:s12], [sflag:$0x3] =	stream.linear.gather [hbm4b:s11+s2], $0x80, $0x38;
	[tilespmem:$0x8400] =	vst v63  }
0x83: {  	_ =	swait.ge [sflag:s3], $0x80  }
0x84: {  	[sflag:s3] =	ssyncset.done $0x0  }
0x85: {  	[sflag:s3] =	ssyncadd.s32 $0xFFFFFF80  }
0x86: {  	[tilespmem:s14], [sflag:$0x3] =	stream.linear.gather [hbm4b:s13+s2], $0x80, $0x38;
	[tilespmem:$0x8400] =	vst v63  }
0x87: {  	_ =	swait.ge [sflag:s3], $0x80  }
0x88: {  	[sflag:s3] =	ssyncset.done $0x0  }
0x89: {  	[sflag:s3] =	ssyncadd.s32 $0xFFFFFF80  }
0x8a: {  	[tilespmem:s16], [sflag:$0x3] =	stream.linear.gather [hbm4b:s15+s2], $0x80, $0x38;
	[tilespmem:$0x8400] =	vst v63  }
0x8b: {  	_ =	swait.ge [sflag:s3], $0x80  }
0x8c: {  	[sflag:s3] =	ssyncset.done $0x0  }
0x8d: {  	[sflag:s3] =	ssyncadd.s32 $0xFFFFFF80  }
0x8e: {  	[tilespmem:s18], [sflag:$0x1] =	stream.indirect.gather [hbm4b:s17+s6], $0x80, s2, s6, $0xb8;
	[tilespmem:$0x8400] =	vst v63  }
0x8f: {  	_ = 	snop  }
0x90: {  	[tilespmem:s20], [sflag:$0x2] =	stream.indirect.gather [hbm4b:s19+s6], $0x80, s4, s6, $0xb8;
	[tilespmem:$0x8400] =	vst v63  }
0x91: {  	_ =	swait.ge [sflag:s21], $0x4000  }
0x92: {  	[sflag:s21] =	ssyncset.done $0x0  }
0x93: {  	[sflag:s21] =	ssyncadd.s32 $0xFFFFC000  }
0x94: {  	_ =	swait.ge [sflag:s22], $0x4000  }
0x95: {  	[sflag:s22] =	ssyncset.done $0x0  }
0x96: {  	[sflag:s22] =	ssyncadd.s32 $0xFFFFC000  }
0x97: {  	[hbm4b:s23+s2] =	stream.linear.scatter [tilespmem:s18], [sflag:$0x3], $0x4000, $0x38;
	[tilespmem:$0x8400] =	vst v63  }
0x98: {  	_ =	swait.ge [sflag:s3], $0x4000  }
0x99: {  	[sflag:s3] =	ssyncset.done $0x0  }
0x9a: {  	[sflag:s3] =	ssyncadd.s32 $0xFFFFC000  }
0x9b: {  	[hbm4b:s24+s2] =	stream.linear.scatter [tilespmem:s20], [sflag:$0x3], $0x4000, $0x38;
	[tilespmem:$0x8400] =	vst v63  }
0x9c: {  	_ =	swait.ge [sflag:s3], $0x4000  }
0x9d: {  	[sflag:s3] =	ssyncset.done $0x0  }
0x9e: {  	[sflag:s3] =	ssyncadd.s32 $0xFFFFC000  }
0x9f: {  	[tilespmem:s18], [sflag:$0x1] =	stream.indirect.gather [hbm4b:s17+s6], $0x80, s6, s6, $0xb8;
	[tilespmem:$0x8400] =	vst v63  }
0xa0: {  	_ = 	snop  }
0xa1: {  	[tilespmem:s20], [sflag:$0x2] =	stream.indirect.gather [hbm4b:s19+s6], $0x80, s8, s6, $0xb8;
	[tilespmem:$0x8400] =	vst v63  }
0xa2: {  	_ =	swait.ge [sflag:s21], $0x4000  }
0xa3: {  	[sflag:s21] =	ssyncset.done $0x0  }
0xa4: {  	[sflag:s21] =	ssyncadd.s32 $0xFFFFC000  }
0xa5: {  	_ =	swait.ge [sflag:s22], $0x4000  }
0xa6: {  	[sflag:s22] =	ssyncset.done $0x0  }
0xa7: {  	[sflag:s22] =	ssyncadd.s32 $0xFFFFC000  }
0xa8: {  	[hbm4b:s25+s2] =	stream.linear.scatter [tilespmem:s18], [sflag:$0x3], $0x4000, $0x38;
	[tilespmem:$0x8400] =	vst v63  }
0xa9: {  	_ =	swait.ge [sflag:s3], $0x4000  }
0xaa: {  	[sflag:s3] =	ssyncset.done $0x0  }
0xab: {  	[sflag:s3] =	ssyncadd.s32 $0xFFFFC000  }
0xac: {  	[hbm4b:s26+s2] =	stream.linear.scatter [tilespmem:s20], [sflag:$0x3], $0x4000, $0x38;
	[tilespmem:$0x8400] =	vst v63  }
0xad: {  	_ =	swait.ge [sflag:s3], $0x4000  }
0xae: {  	[sflag:s3] =	ssyncset.done $0x0  }
0xaf: {  	[sflag:s3] =	ssyncadd.s32 $0xFFFFC000  }
0xb0: {  	[tilespmem:s18], [sflag:$0x1] =	stream.indirect.gather [hbm4b:s17+s6], $0x80, s10, s6, $0xb8;
	[tilespmem:$0x8400] =	vst v63  }
0xb1: {  	_ = 	snop  }
0xb2: {  	[tilespmem:s20], [sflag:$0x2] =	stream.indirect.gather [hbm4b:s19+s6], $0x80, s12, s6, $0xb8;
	[tilespmem:$0x8400] =	vst v63  }
0xb3: {  	_ =	swait.ge [sflag:s21], $0x4000  }
0xb4: {  	[sflag:s21] =	ssyncset.done $0x0  }
0xb5: {  	[sflag:s21] =	ssyncadd.s32 $0xFFFFC000  }
0xb6: {  	_ =	swait.ge [sflag:s22], $0x4000  }
0xb7: {  	[sflag:s22] =	ssyncset.done $0x0  }
0xb8: {  	[sflag:s22] =	ssyncadd.s32 $0xFFFFC000  }
0xb9: {  	[hbm4b:s28+s2] =	stream.linear.scatter [tilespmem:s18], [sflag:$0x3], $0x4000, $0x38;
	[tilespmem:$0x8400] =	vst v63  }
0xba: {  	_ =	swait.ge [sflag:s3], $0x4000  }
0xbb: {  	[sflag:s3] =	ssyncset.done $0x0  }
0xbc: {  	[sflag:s3] =	ssyncadd.s32 $0xFFFFC000  }
0xbd: {  	[hbm4b:s29+s2] =	stream.linear.scatter [tilespmem:s20], [sflag:$0x3], $0x4000, $0x38;
	[tilespmem:$0x8400] =	vst v63  }
0xbe: {  	_ =	swait.ge [sflag:s3], $0x4000  }
0xbf: {  	[sflag:s3] =	ssyncset.done $0x0  }
0xc0: {  	[sflag:s3] =	ssyncadd.s32 $0xFFFFC000  }
0xc1: {  	[tilespmem:s18], [sflag:$0x1] =	stream.indirect.gather [hbm4b:s17+s6], $0x80, s14, s6, $0xb8;
	[tilespmem:$0x8400] =	vst v63  }
0xc2: {  	_ = 	snop  }
0xc3: {  	[tilespmem:s20], [sflag:$0x2] =	stream.indirect.gather [hbm4b:s19+s6], $0x80, s16, s6, $0xb8;
	[tilespmem:$0x8400] =	vst v63  }
0xc4: {  	_ =	swait.ge [sflag:s21], $0x4000  }
0xc5: {  	[sflag:s21] =	ssyncset.done $0x0  }
0xc6: {  	[sflag:s21] =	ssyncadd.s32 $0xFFFFC000  }
0xc7: {  	_ =	swait.ge [sflag:s22], $0x4000  }
0xc8: {  	[sflag:s22] =	ssyncset.done $0x0  }
0xc9: {  	p0 =	sne.s32 s1, $0x1;
	[sflag:s22] =	ssyncadd.s32 $0xFFFFC000  }
0xca: {  	[hbm4b:s30+s2] =	stream.linear.scatter [tilespmem:s18], [sflag:$0x3], $0x4000, $0x38;
	[tilespmem:$0x8400] =	vst v63  }
.Ltmp1:
0xcb: {  	_ =	swait.ge [sflag:s3], $0x4000;
	(pc) =	sbr.rel @p0 .LBB2_1-.Ltmp1, $4  }
0xcc: {  	[sflag:s3] =	ssyncset.done $0x0  }
0xcd: {  	[sflag:s3] =	ssyncadd.s32 $0xFFFFC000  }
0xce: {  	[hbm4b:s31+s2] =	stream.linear.scatter [tilespmem:s20], [sflag:$0x3], $0x4000, $0x38;
	[tilespmem:$0x8400] =	vst v63  }
0xcf: {  	s1 =	sadd.s32 $0xFFFFFFFF, s1;
	_ =	swait.ge [sflag:s3], $0x4000  }
.LBB2_2:
0xd0: {  	[sflag:s3] =	ssyncset.done $0x0  }
0xd1: {  	[sflag:s3] =	ssyncadd.s32 $0xFFFFC000  }
0xd2: {  	_ =	sfence.sel $0x180000  }
0xd3: {  	[bflag:$0x0] =	sbarrier.arrive $0xFFFF  }
0xd4: {  	_ =	strace $0x90000047  }
0xd5: {  	s0 =	stileid.u32;
	[bflag:$0x2] =	sbarrier.arrive $0xFFFF  }
0xd6: {  	p0 =	sne.s32 s0, $0x0;
	s0 =	rddreg [dreg:$0x1]  }
0xd7: {  	s0 =	sadd.s32 @!p0 $0x100000, s0  }
0xd8: {  	[sflag:s0] =	ssyncadd.tile.s32 @!p0 $0x1;
	_ =	shalt  }
.Lfunc_end2:
_tile_overlayer_lowered:
.L_overlay_start_2:
0xd9: {  	(tag) =	ssettag $0x2  }
0xda: {  	s0 =	rddreg [dreg:$0x0];
	s2 =	stileid.u32  }
0xdb: {  	s1 =	rddreg [dreg:$0x1];
	p0 =	sne.s32 s2, $0x0  }
0xdc: {  	s3 =	rddreg [dreg:$0x2];
	[bflag:$0x3] =	sbarrier.arrive $0xFFFF;
	s2 =	simm.s32 @!p0 $0x1C03  }
0xdd: {  	[timem:s3], [sflag:s2] =	dma.local @!p0 [hbm:s0], s1  }
0xde: {  	s0 =	simm.s32 @!p0 $0x3  }
0xdf: {  	_ =	swait.ge @!p0 [sflag:s0], s1  }
0xe0: {  	s1 =	ssub.s32 @!p0 $0x0, s1;
	[sflag:s0] =	ssyncset.done @!p0 $0x0  }
0xe1: {  	[sflag:s0] =	ssyncadd.s32 @!p0 s1  }
0xe2: {  	[bflag:$0x3] =	sbarrier.arrive $0xFFFF  }
0xe3: {  	_ =	shalt  }

</sc_bundles>
